<compile_context>
chip_gen: v7x
topology: tpu7x:2x2x1
jax: 0.10.2.dev20260603
libtpu: 0.0.44.dev20260713+nightly
codegen_flags: <defaults>
</compile_context>

<pallas_src>
import functools

import jax
import jax.numpy as jnp
from jax import lax
from jax.experimental import pallas as pl
from jax.experimental.pallas import tpu as pltpu
from jax.experimental.pallas import tpu_sc as plsc

N_UNITS = 1000
K_SUB = 5
BATCH = 1024
N_RECEPTORS = 4096

NC = 2
NS = 16
NW = NC * NS
LANES = 16
B_PER_W = BATCH // NW
B_RES = 8
N_PASS = B_PER_W // B_RES
CHUNKS = N_RECEPTORS // LANES
W_PAD = 1024


def _stage1_body(e0_ref, e1_ref, c_ref, a_ref):
    lnc = jnp.log(c_ref[...] + 1e-12)
    x = lnc - e1_ref[...]
    sp = jnp.maximum(x, 0.0) + jnp.log1p(jnp.exp(-jnp.abs(x)))
    a_ref[:, :N_UNITS] = e0_ref[...] - lnc + sp


def _stage1(e0, e1, conc2d):
    bb = 256
    return pl.pallas_call(
        _stage1_body,
        grid=(BATCH // bb,),
        in_specs=[
            pl.BlockSpec((bb, N_UNITS), lambda i: (i, 0)),
            pl.BlockSpec((bb, N_UNITS), lambda i: (i, 0)),
            pl.BlockSpec((bb, 1), lambda i: (i, 0)),
        ],
        out_specs=pl.BlockSpec((bb, W_PAD), lambda i: (i, 0)),
        out_shape=jax.ShapeDtypeStruct((BATCH, W_PAD), jnp.float32),
    )(e0, e1, conc2d)


_SC_MESH = plsc.VectorSubcoreMesh(
    core_axis_name="c", subcore_axis_name="s", num_cores=NC, num_subcores=NS
)


@functools.partial(
    pl.kernel,
    mesh=_SC_MESH,
    out_type=jax.ShapeDtypeStruct((BATCH, N_RECEPTORS), jnp.float32),
    compiler_params=pltpu.CompilerParams(needs_layout_passes=False),
    scratch_types=[
        pltpu.VMEM((K_SUB, N_RECEPTORS), jnp.int32),
        pltpu.VMEM((B_RES, W_PAD), jnp.float32),
        pltpu.VMEM((B_RES, W_PAD), jnp.float32),
        pltpu.VMEM((B_RES, N_RECEPTORS), jnp.float32),
        pltpu.VMEM((B_RES, N_RECEPTORS), jnp.float32),
        pltpu.SemaphoreType.DMA,
        pltpu.SemaphoreType.DMA,
        pltpu.SemaphoreType.DMA,
        pltpu.SemaphoreType.DMA,
        pltpu.SemaphoreType.DMA,
    ],
)
def _sc_gather_sum(
    a_hbm, idx_hbm, out_hbm,
    idx_v, a0_v, a1_v, o0_v, o1_v,
    sem_i, sem_a0, sem_a1, sem_o0, sem_o1,
):
    wid = lax.axis_index("s") * NC + lax.axis_index("c")
    row0 = wid * B_PER_W
    a_bufs = [a0_v, a1_v]
    o_bufs = [o0_v, o1_v]
    a_sems = [sem_a0, sem_a1]
    o_sems = [sem_o0, sem_o1]

    idx_cp = pltpu.async_copy(idx_hbm, idx_v, sem_i)
    a_cp = [None, None]
    o_cp = [None, None]
    a_cp[0] = pltpu.async_copy(a_hbm.at[pl.ds(row0, B_RES)], a_bufs[0], a_sems[0])
    idx_cp.wait()

    for p in range(N_PASS):
        buf = p % 2
        base = row0 + p * B_RES
        a_cp[buf].wait()
        if p + 1 < N_PASS:
            a_cp[1 - buf] = pltpu.async_copy(
                a_hbm.at[pl.ds(base + B_RES, B_RES)], a_bufs[1 - buf], a_sems[1 - buf]
            )
        if o_cp[buf] is not None:
            o_cp[buf].wait()
        a_v = a_bufs[buf]
        out_v = o_bufs[buf]

        @pl.loop(0, CHUNKS)
        def _chunk_loop(ch):
            off = ch * LANES
            iks = [idx_v[k, pl.ds(off, LANES)] for k in range(K_SUB)]

            res = []
            for j in range(B_RES):
                jv = jnp.full((LANES,), j, dtype=jnp.int32)
                g = [plsc.load_gather(a_v, [jv, iks[k]]) for k in range(K_SUB)]
                s = (g[0] + g[1]) + (g[2] + g[3]) + g[4]
                res.append(1.0 / (1.0 + jnp.exp(s)))
            for j in range(B_RES):
                out_v[j, pl.ds(off, LANES)] = res[j]

        o_cp[buf] = pltpu.async_copy(out_v, out_hbm.at[pl.ds(base, B_RES)], o_sems[buf])

    for buf in range(2):
        if o_cp[buf] is not None:
            o_cp[buf].wait()


def kernel(energies, concentrations, receptor_indices):
    e0 = energies[:, :, 0]
    e1 = energies[:, :, 1]
    conc2d = concentrations.reshape(BATCH, 1)
    a = _stage1(e0, e1, conc2d)
    idx_t = receptor_indices.astype(jnp.int32).T
    return _sc_gather_sum(a, idx_t)

# --- scband reference (transcript-rebuilt; emitter-appended) ---
"""Pipeline reference for scband-receptor-5918464934406 (READ-ONLY COPY).

The authoritative reference and input builder live on the scoring server;
editing this copy changes nothing except your own understanding.
"""

import jax, jax.numpy as jnp
import numpy as np

N_UNITS = 1000
K_SUB = 5
BATCH = 1024
N_RECEPTORS = 4096

def setup_inputs(seed: int = 0) -> dict:
    key = jax.random.key(seed)
    k1, k2, k3 = jax.random.split(key, 3)
    energies = jax.random.normal(k1, (BATCH, N_UNITS, 2), dtype=jnp.float32)
    concentrations = jax.random.uniform(k2, (BATCH,), dtype=jnp.float32)
    receptor_indices = jax.random.randint(k3, (N_RECEPTORS, K_SUB), 0, N_UNITS, dtype=jnp.int64 if jax.config.jax_enable_x64 else jnp.int32)
    return {"energies": energies, "concentrations": concentrations, "receptor_indices": receptor_indices}

def _p_open(c_reshaped, E_open, E_closed):
    ln_c = jnp.log(c_reshaped + 1e-12)
    log_w_open_per_unit = ln_c - E_open
    ln_W_open = jnp.sum(log_w_open_per_unit, axis=-1)
    log_w_closed_per_unit = jax.nn.softplus(ln_c - E_closed)
    ln_W_closed = jnp.sum(log_w_closed_per_unit, axis=-1)
    return jax.nn.sigmoid(ln_W_open - ln_W_closed)

def reference(energies, concentrations, receptor_indices):
    batch_size = energies.shape[0]
    n_receptors = receptor_indices.shape[0]
    flat_indices = receptor_indices.reshape(-1)
    gathered_flat = jnp.take(energies, flat_indices, axis=1)
    energies_k = gathered_flat.reshape(batch_size, n_receptors, K_SUB, 2)
    E_open = energies_k[..., 0]
    E_closed = energies_k[..., 1]
    p_o = _p_open(concentrations.reshape(batch_size, 1, 1), E_open, E_closed)
    return jnp.clip(p_o, 0.0, 1.0)

if __name__ == "__main__":
    import jax
    _d = setup_inputs()
    print(jax.jit(kernel)(*tuple(_d.values())))

</pallas_src>

<mosaic_0001>
#map = affine_map<(d0, d1) -> (0, 0)>
module attributes {stable_mosaic.version = 14 : i64} {
  func.func @_sc_gather_sum(%arg0: i32, %arg1: i32, %arg2: memref<1024x1024xf32, #tpu.memory_space<hbm>>, %arg3: memref<5x4096xi32, #tpu.memory_space<hbm>>, %arg4: memref<1024x4096xf32, #tpu.memory_space<hbm>>, %arg5: memref<5x4096xi32, #tpu.memory_space<vmem>>, %arg6: memref<8x1024xf32, #tpu.memory_space<vmem>>, %arg7: memref<8x1024xf32, #tpu.memory_space<vmem>>, %arg8: memref<8x4096xf32, #tpu.memory_space<vmem>>, %arg9: memref<8x4096xf32, #tpu.memory_space<vmem>>, %arg10: memref<!tpu.dma_semaphore, #tpu.memory_space<semaphore_mem>>, %arg11: memref<!tpu.dma_semaphore, #tpu.memory_space<semaphore_mem>>, %arg12: memref<!tpu.dma_semaphore, #tpu.memory_space<semaphore_mem>>, %arg13: memref<!tpu.dma_semaphore, #tpu.memory_space<semaphore_mem>>, %arg14: memref<!tpu.dma_semaphore, #tpu.memory_space<semaphore_mem>>) attributes {dimension_semantics = [#tpu.dimension_semantics<core_parallel>, #tpu.dimension_semantics<subcore_parallel>], iteration_bounds = array<i64: 2, 16>, scalar_prefetch = 0 : i64, scratch_operands = 10 : i64, tpu.core_type = #tpu.core_type<sc_vector_subcore>, window_params = [{transform_indices = #map}, {transform_indices = #map}, {transform_indices = #map}]} {
    %mul3A = arith.constant 2 : i32
    %mul3A_0 = arith.muli %arg1, %mul3A : i32
    %add3A = arith.addi %mul3A_0, %arg0 : i32
    %mul3A_1 = arith.constant 32 : i32
    %mul3A_2 = arith.muli %add3A, %mul3A_1 : i32
    tpu.enqueue_dma source(%arg3 : memref<5x4096xi32, #tpu.memory_space<hbm>>) target(%arg5 : memref<5x4096xi32, #tpu.memory_space<vmem>>) target_semaphore(%arg10 : memref<!tpu.dma_semaphore, #tpu.memory_space<semaphore_mem>>)
    %dma_start3A = arith.constant 0 : i32
    %dma_start3A_3 = tpu.memref_slice %arg2[%mul3A_2, %dma_start3A] : memref<1024x1024xf32, #tpu.memory_space<hbm>> -> memref<8x1024xf32, #tpu.memory_space<hbm>>
    %dma_start3A_4 = arith.constant 0 : i32
    %dma_start3A_5 = tpu.memref_slice %arg2[%mul3A_2, %dma_start3A_4] : memref<1024x1024xf32, #tpu.memory_space<hbm>> -> memref<8x1024xf32, #tpu.memory_space<hbm>>
    tpu.enqueue_dma source(%dma_start3A_5 : memref<8x1024xf32, #tpu.memory_space<hbm>>) target(%arg6 : memref<8x1024xf32, #tpu.memory_space<vmem>>) target_semaphore(%arg11 : memref<!tpu.dma_semaphore, #tpu.memory_space<semaphore_mem>>)
    tpu.wait_dma2 semaphore(%arg10 : memref<!tpu.dma_semaphore, #tpu.memory_space<semaphore_mem>>) src(%arg3 : memref<5x4096xi32, #tpu.memory_space<hbm>>) dst(%arg5 : memref<5x4096xi32, #tpu.memory_space<vmem>>)
    %add3A_6 = arith.constant 0 : i32
    %add3A_7 = arith.addi %mul3A_2, %add3A_6 : i32
    %dma_wait3A = arith.constant 0 : i32
    %dma_wait3A_8 = tpu.memref_slice %arg2[%mul3A_2, %dma_wait3A] : memref<1024x1024xf32, #tpu.memory_space<hbm>> -> memref<8x1024xf32, #tpu.memory_space<hbm>>
    %dma_wait3A_9 = arith.constant 0 : i32
    %dma_wait3A_10 = tpu.memref_slice %arg2[%mul3A_2, %dma_wait3A_9] : memref<1024x1024xf32, #tpu.memory_space<hbm>> -> memref<8x1024xf32, #tpu.memory_space<hbm>>
    tpu.wait_dma2 semaphore(%arg11 : memref<!tpu.dma_semaphore, #tpu.memory_space<semaphore_mem>>) src(%dma_wait3A_10 : memref<8x1024xf32, #tpu.memory_space<hbm>>) dst(%arg6 : memref<8x1024xf32, #tpu.memory_space<vmem>>)
    %add3A_11 = arith.constant 8 : i32
    %add3A_12 = arith.addi %add3A_7, %add3A_11 : i32
    %dma_start3A_13 = arith.constant 0 : i32
    %dma_start3A_14 = tpu.memref_slice %arg2[%add3A_12, %dma_start3A_13] : memref<1024x1024xf32, #tpu.memory_space<hbm>> -> memref<8x1024xf32, #tpu.memory_space<hbm>>
    %dma_start3A_15 = arith.constant 0 : i32
    %dma_start3A_16 = tpu.memref_slice %arg2[%add3A_12, %dma_start3A_15] : memref<1024x1024xf32, #tpu.memory_space<hbm>> -> memref<8x1024xf32, #tpu.memory_space<hbm>>
    tpu.enqueue_dma source(%dma_start3A_16 : memref<8x1024xf32, #tpu.memory_space<hbm>>) target(%arg7 : memref<8x1024xf32, #tpu.memory_space<vmem>>) target_semaphore(%arg12 : memref<!tpu.dma_semaphore, #tpu.memory_space<semaphore_mem>>)
    %scan3A = arith.constant 0 : i32
    %scan3A_17 = arith.constant 256 : i32
    %scan3A_18 = arith.addi %scan3A, %scan3A_17 : i32
    %scan3A_19 = arith.constant 1 : i32
    scf.for %scan3A_98 = %scan3A to %scan3A_18 step %scan3A_19  : i32 {
      %mul3A_99 = arith.constant 1 : i32
      %mul3A_100 = arith.muli %scan3A_98, %mul3A_99 : i32
      %add3A_101 = arith.constant 0 : i32
      %add3A_102 = arith.addi %add3A_101, %mul3A_100 : i32
      %mul3A_103 = arith.constant 16 : i32
      %mul3A_104 = arith.muli %add3A_102, %mul3A_103 : i32
      %get3A = arith.constant 0 : i32
      %get3A_105 = arith.index_cast %get3A : i32 to index
      %get3A_106 = arith.index_cast %mul3A_104 : i32 to index
      %get3A_107 = tpu.vector_load %arg5[%get3A_105, %get3A_106] {strides = array<i32>} : memref<5x4096xi32, #tpu.memory_space<vmem>>, vector<16xi32>,
      %get3A_108 = arith.constant 1 : i32
      %get3A_109 = arith.index_cast %get3A_108 : i32 to index
      %get3A_110 = arith.index_cast %mul3A_104 : i32 to index
      %get3A_111 = tpu.vector_load %arg5[%get3A_109, %get3A_110] {strides = array<i32>} : memref<5x4096xi32, #tpu.memory_space<vmem>>, vector<16xi32>,
      %get3A_112 = arith.constant 2 : i32
      %get3A_113 = arith.index_cast %get3A_112 : i32 to index
      %get3A_114 = arith.index_cast %mul3A_104 : i32 to index
      %get3A_115 = tpu.vector_load %arg5[%get3A_113, %get3A_114] {strides = array<i32>} : memref<5x4096xi32, #tpu.memory_space<vmem>>, vector<16xi32>,
      %get3A_116 = arith.constant 3 : i32
      %get3A_117 = arith.index_cast %get3A_116 : i32 to index
      %get3A_118 = arith.index_cast %mul3A_104 : i32 to index
      %get3A_119 = tpu.vector_load %arg5[%get3A_117, %get3A_118] {strides = array<i32>} : memref<5x4096xi32, #tpu.memory_space<vmem>>, vector<16xi32>,
      %get3A_120 = arith.constant 4 : i32
      %get3A_121 = arith.index_cast %get3A_120 : i32 to index
      %get3A_122 = arith.index_cast %mul3A_104 : i32 to index
      %get3A_123 = tpu.vector_load %arg5[%get3A_121, %get3A_122] {strides = array<i32>} : memref<5x4096xi32, #tpu.memory_space<vmem>>, vector<16xi32>,
      %broadcast_in_dim3A = arith.constant 0 : i32
      %broadcast_in_dim3A_124 = vector.broadcast %broadcast_in_dim3A : i32 to vector<16xi32>
      %gather3A = tpu.vector_load_idx %arg6[%broadcast_in_dim3A_124, %get3A_107] : memref<8x1024xf32, #tpu.memory_space<vmem>>[vector<16xi32>, vector<16xi32>], vector<16xf32>,
      %gather3A_125 = tpu.vector_load_idx %arg6[%broadcast_in_dim3A_124, %get3A_111] : memref<8x1024xf32, #tpu.memory_space<vmem>>[vector<16xi32>, vector<16xi32>], vector<16xf32>,
      %gather3A_126 = tpu.vector_load_idx %arg6[%broadcast_in_dim3A_124, %get3A_115] : memref<8x1024xf32, #tpu.memory_space<vmem>>[vector<16xi32>, vector<16xi32>], vector<16xf32>,
      %gather3A_127 = tpu.vector_load_idx %arg6[%broadcast_in_dim3A_124, %get3A_119] : memref<8x1024xf32, #tpu.memory_space<vmem>>[vector<16xi32>, vector<16xi32>], vector<16xf32>,
      %gather3A_128 = tpu.vector_load_idx %arg6[%broadcast_in_dim3A_124, %get3A_123] : memref<8x1024xf32, #tpu.memory_space<vmem>>[vector<16xi32>, vector<16xi32>], vector<16xf32>,
      %add3A_129 = arith.addf %gather3A, %gather3A_125 : vector<16xf32>
      %add3A_130 = arith.addf %gather3A_126, %gather3A_127 : vector<16xf32>
      %add3A_131 = arith.addf %add3A_129, %add3A_130 : vector<16xf32>
      %add3A_132 = arith.addf %add3A_131, %gather3A_128 : vector<16xf32>
      %exp3A = math.exp %add3A_132 : vector<16xf32>
      %add3A_133 = arith.constant 1.000000e+00 : f32
      %add3A_134 = vector.broadcast %add3A_133 : f32 to vector<16xf32>
      %add3A_135 = arith.addf %add3A_134, %exp3A : vector<16xf32>
      %div3A = arith.constant 1.000000e+00 : f32
      %div3A_136 = vector.broadcast %div3A : f32 to vector<16xf32>
      %div3A_137 = arith.divf %div3A_136, %add3A_135 : vector<16xf32>
      %broadcast_in_dim3A_138 = arith.constant 1 : i32
      %broadcast_in_dim3A_139 = vector.broadcast %broadcast_in_dim3A_138 : i32 to vector<16xi32>
      %gather3A_140 = tpu.vector_load_idx %arg6[%broadcast_in_dim3A_139, %get3A_107] : memref<8x1024xf32, #tpu.memory_space<vmem>>[vector<16xi32>, vector<16xi32>], vector<16xf32>,
      %gather3A_141 = tpu.vector_load_idx %arg6[%broadcast_in_dim3A_139, %get3A_111] : memref<8x1024xf32, #tpu.memory_space<vmem>>[vector<16xi32>, vector<16xi32>], vector<16xf32>,
      %gather3A_142 = tpu.vector_load_idx %arg6[%broadcast_in_dim3A_139, %get3A_115] : memref<8x1024xf32, #tpu.memory_space<vmem>>[vector<16xi32>, vector<16xi32>], vector<16xf32>,
      %gather3A_143 = tpu.vector_load_idx %arg6[%broadcast_in_dim3A_139, %get3A_119] : memref<8x1024xf32, #tpu.memory_space<vmem>>[vector<16xi32>, vector<16xi32>], vector<16xf32>,
      %gather3A_144 = tpu.vector_load_idx %arg6[%broadcast_in_dim3A_139, %get3A_123] : memref<8x1024xf32, #tpu.memory_space<vmem>>[vector<16xi32>, vector<16xi32>], vector<16xf32>,
      %add3A_145 = arith.addf %gather3A_140, %gather3A_141 : vector<16xf32>
      %add3A_146 = arith.addf %gather3A_142, %gather3A_143 : vector<16xf32>
      %add3A_147 = arith.addf %add3A_145, %add3A_146 : vector<16xf32>
      %add3A_148 = arith.addf %add3A_147, %gather3A_144 : vector<16xf32>
      %exp3A_149 = math.exp %add3A_148 : vector<16xf32>
      %add3A_150 = arith.constant 1.000000e+00 : f32
      %add3A_151 = vector.broadcast %add3A_150 : f32 to vector<16xf32>
      %add3A_152 = arith.addf %add3A_151, %exp3A_149 : vector<16xf32>
      %div3A_153 = arith.constant 1.000000e+00 : f32
      %div3A_154 = vector.broadcast %div3A_153 : f32 to vector<16xf32>
      %div3A_155 = arith.divf %div3A_154, %add3A_152 : vector<16xf32>
      %broadcast_in_dim3A_156 = arith.constant 2 : i32
      %broadcast_in_dim3A_157 = vector.broadcast %broadcast_in_dim3A_156 : i32 to vector<16xi32>
      %gather3A_158 = tpu.vector_load_idx %arg6[%broadcast_in_dim3A_157, %get3A_107] : memref<8x1024xf32, #tpu.memory_space<vmem>>[vector<16xi32>, vector<16xi32>], vector<16xf32>,
      %gather3A_159 = tpu.vector_load_idx %arg6[%broadcast_in_dim3A_157, %get3A_111] : memref<8x1024xf32, #tpu.memory_space<vmem>>[vector<16xi32>, vector<16xi32>], vector<16xf32>,
      %gather3A_160 = tpu.vector_load_idx %arg6[%broadcast_in_dim3A_157, %get3A_115] : memref<8x1024xf32, #tpu.memory_space<vmem>>[vector<16xi32>, vector<16xi32>], vector<16xf32>,
      %gather3A_161 = tpu.vector_load_idx %arg6[%broadcast_in_dim3A_157, %get3A_119] : memref<8x1024xf32, #tpu.memory_space<vmem>>[vector<16xi32>, vector<16xi32>], vector<16xf32>,
      %gather3A_162 = tpu.vector_load_idx %arg6[%broadcast_in_dim3A_157, %get3A_123] : memref<8x1024xf32, #tpu.memory_space<vmem>>[vector<16xi32>, vector<16xi32>], vector<16xf32>,
      %add3A_163 = arith.addf %gather3A_158, %gather3A_159 : vector<16xf32>
      %add3A_164 = arith.addf %gather3A_160, %gather3A_161 : vector<16xf32>
      %add3A_165 = arith.addf %add3A_163, %add3A_164 : vector<16xf32>
      %add3A_166 = arith.addf %add3A_165, %gather3A_162 : vector<16xf32>
      %exp3A_167 = math.exp %add3A_166 : vector<16xf32>
      %add3A_168 = arith.constant 1.000000e+00 : f32
      %add3A_169 = vector.broadcast %add3A_168 : f32 to vector<16xf32>
      %add3A_170 = arith.addf %add3A_169, %exp3A_167 : vector<16xf32>
      %div3A_171 = arith.constant 1.000000e+00 : f32
      %div3A_172 = vector.broadcast %div3A_171 : f32 to vector<16xf32>
      %div3A_173 = arith.divf %div3A_172, %add3A_170 : vector<16xf32>
      %broadcast_in_dim3A_174 = arith.constant 3 : i32
      %broadcast_in_dim3A_175 = vector.broadcast %broadcast_in_dim3A_174 : i32 to vector<16xi32>
      %gather3A_176 = tpu.vector_load_idx %arg6[%broadcast_in_dim3A_175, %get3A_107] : memref<8x1024xf32, #tpu.memory_space<vmem>>[vector<16xi32>, vector<16xi32>], vector<16xf32>,
      %gather3A_177 = tpu.vector_load_idx %arg6[%broadcast_in_dim3A_175, %get3A_111] : memref<8x1024xf32, #tpu.memory_space<vmem>>[vector<16xi32>, vector<16xi32>], vector<16xf32>,
      %gather3A_178 = tpu.vector_load_idx %arg6[%broadcast_in_dim3A_175, %get3A_115] : memref<8x1024xf32, #tpu.memory_space<vmem>>[vector<16xi32>, vector<16xi32>], vector<16xf32>,
      %gather3A_179 = tpu.vector_load_idx %arg6[%broadcast_in_dim3A_175, %get3A_119] : memref<8x1024xf32, #tpu.memory_space<vmem>>[vector<16xi32>, vector<16xi32>], vector<16xf32>,
      %gather3A_180 = tpu.vector_load_idx %arg6[%broadcast_in_dim3A_175, %get3A_123] : memref<8x1024xf32, #tpu.memory_space<vmem>>[vector<16xi32>, vector<16xi32>], vector<16xf32>,
      %add3A_181 = arith.addf %gather3A_176, %gather3A_177 : vector<16xf32>
      %add3A_182 = arith.addf %gather3A_178, %gather3A_179 : vector<16xf32>
      %add3A_183 = arith.addf %add3A_181, %add3A_182 : vector<16xf32>
      %add3A_184 = arith.addf %add3A_183, %gather3A_180 : vector<16xf32>
      %exp3A_185 = math.exp %add3A_184 : vector<16xf32>
      %add3A_186 = arith.constant 1.000000e+00 : f32
      %add3A_187 = vector.broadcast %add3A_186 : f32 to vector<16xf32>
      %add3A_188 = arith.addf %add3A_187, %exp3A_185 : vector<16xf32>
      %div3A_189 = arith.constant 1.000000e+00 : f32
      %div3A_190 = vector.broadcast %div3A_189 : f32 to vector<16xf32>
      %div3A_191 = arith.divf %div3A_190, %add3A_188 : vector<16xf32>
      %broadcast_in_dim3A_192 = arith.constant 4 : i32
      %broadcast_in_dim3A_193 = vector.broadcast %broadcast_in_dim3A_192 : i32 to vector<16xi32>
      %gather3A_194 = tpu.vector_load_idx %arg6[%broadcast_in_dim3A_193, %get3A_107] : memref<8x1024xf32, #tpu.memory_space<vmem>>[vector<16xi32>, vector<16xi32>], vector<16xf32>,
      %gather3A_195 = tpu.vector_load_idx %arg6[%broadcast_in_dim3A_193, %get3A_111] : memref<8x1024xf32, #tpu.memory_space<vmem>>[vector<16xi32>, vector<16xi32>], vector<16xf32>,
      %gather3A_196 = tpu.vector_load_idx %arg6[%broadcast_in_dim3A_193, %get3A_115] : memref<8x1024xf32, #tpu.memory_space<vmem>>[vector<16xi32>, vector<16xi32>], vector<16xf32>,
      %gather3A_197 = tpu.vector_load_idx %arg6[%broadcast_in_dim3A_193, %get3A_119] : memref<8x1024xf32, #tpu.memory_space<vmem>>[vector<16xi32>, vector<16xi32>], vector<16xf32>,
      %gather3A_198 = tpu.vector_load_idx %arg6[%broadcast_in_dim3A_193, %get3A_123] : memref<8x1024xf32, #tpu.memory_space<vmem>>[vector<16xi32>, vector<16xi32>], vector<16xf32>,
      %add3A_199 = arith.addf %gather3A_194, %gather3A_195 : vector<16xf32>
      %add3A_200 = arith.addf %gather3A_196, %gather3A_197 : vector<16xf32>
      %add3A_201 = arith.addf %add3A_199, %add3A_200 : vector<16xf32>
      %add3A_202 = arith.addf %add3A_201, %gather3A_198 : vector<16xf32>
      %exp3A_203 = math.exp %add3A_202 : vector<16xf32>
      %add3A_204 = arith.constant 1.000000e+00 : f32
      %add3A_205 = vector.broadcast %add3A_204 : f32 to vector<16xf32>
      %add3A_206 = arith.addf %add3A_205, %exp3A_203 : vector<16xf32>
      %div3A_207 = arith.constant 1.000000e+00 : f32
      %div3A_208 = vector.broadcast %div3A_207 : f32 to vector<16xf32>
      %div3A_209 = arith.divf %div3A_208, %add3A_206 : vector<16xf32>
      %broadcast_in_dim3A_210 = arith.constant 5 : i32
      %broadcast_in_dim3A_211 = vector.broadcast %broadcast_in_dim3A_210 : i32 to vector<16xi32>
      %gather3A_212 = tpu.vector_load_idx %arg6[%broadcast_in_dim3A_211, %get3A_107] : memref<8x1024xf32, #tpu.memory_space<vmem>>[vector<16xi32>, vector<16xi32>], vector<16xf32>,
      %gather3A_213 = tpu.vector_load_idx %arg6[%broadcast_in_dim3A_211, %get3A_111] : memref<8x1024xf32, #tpu.memory_space<vmem>>[vector<16xi32>, vector<16xi32>], vector<16xf32>,
      %gather3A_214 = tpu.vector_load_idx %arg6[%broadcast_in_dim3A_211, %get3A_115] : memref<8x1024xf32, #tpu.memory_space<vmem>>[vector<16xi32>, vector<16xi32>], vector<16xf32>,
      %gather3A_215 = tpu.vector_load_idx %arg6[%broadcast_in_dim3A_211, %get3A_119] : memref<8x1024xf32, #tpu.memory_space<vmem>>[vector<16xi32>, vector<16xi32>], vector<16xf32>,
      %gather3A_216 = tpu.vector_load_idx %arg6[%broadcast_in_dim3A_211, %get3A_123] : memref<8x1024xf32, #tpu.memory_space<vmem>>[vector<16xi32>, vector<16xi32>], vector<16xf32>,
      %add3A_217 = arith.addf %gather3A_212, %gather3A_213 : vector<16xf32>
      %add3A_218 = arith.addf %gather3A_214, %gather3A_215 : vector<16xf32>
      %add3A_219 = arith.addf %add3A_217, %add3A_218 : vector<16xf32>
      %add3A_220 = arith.addf %add3A_219, %gather3A_216 : vector<16xf32>
      %exp3A_221 = math.exp %add3A_220 : vector<16xf32>
      %add3A_222 = arith.constant 1.000000e+00 : f32
      %add3A_223 = vector.broadcast %add3A_222 : f32 to vector<16xf32>
      %add3A_224 = arith.addf %add3A_223, %exp3A_221 : vector<16xf32>
      %div3A_225 = arith.constant 1.000000e+00 : f32
      %div3A_226 = vector.broadcast %div3A_225 : f32 to vector<16xf32>
      %div3A_227 = arith.divf %div3A_226, %add3A_224 : vector<16xf32>
      %broadcast_in_dim3A_228 = arith.constant 6 : i32
      %broadcast_in_dim3A_229 = vector.broadcast %broadcast_in_dim3A_228 : i32 to vector<16xi32>
      %gather3A_230 = tpu.vector_load_idx %arg6[%broadcast_in_dim3A_229, %get3A_107] : memref<8x1024xf32, #tpu.memory_space<vmem>>[vector<16xi32>, vector<16xi32>], vector<16xf32>,
      %gather3A_231 = tpu.vector_load_idx %arg6[%broadcast_in_dim3A_229, %get3A_111] : memref<8x1024xf32, #tpu.memory_space<vmem>>[vector<16xi32>, vector<16xi32>], vector<16xf32>,
      %gather3A_232 = tpu.vector_load_idx %arg6[%broadcast_in_dim3A_229, %get3A_115] : memref<8x1024xf32, #tpu.memory_space<vmem>>[vector<16xi32>, vector<16xi32>], vector<16xf32>,
      %gather3A_233 = tpu.vector_load_idx %arg6[%broadcast_in_dim3A_229, %get3A_119] : memref<8x1024xf32, #tpu.memory_space<vmem>>[vector<16xi32>, vector<16xi32>], vector<16xf32>,
      %gather3A_234 = tpu.vector_load_idx %arg6[%broadcast_in_dim3A_229, %get3A_123] : memref<8x1024xf32, #tpu.memory_space<vmem>>[vector<16xi32>, vector<16xi32>], vector<16xf32>,
      %add3A_235 = arith.addf %gather3A_230, %gather3A_231 : vector<16xf32>
      %add3A_236 = arith.addf %gather3A_232, %gather3A_233 : vector<16xf32>
      %add3A_237 = arith.addf %add3A_235, %add3A_236 : vector<16xf32>
      %add3A_238 = arith.addf %add3A_237, %gather3A_234 : vector<16xf32>
      %exp3A_239 = math.exp %add3A_238 : vector<16xf32>
      %add3A_240 = arith.constant 1.000000e+00 : f32
      %add3A_241 = vector.broadcast %add3A_240 : f32 to vector<16xf32>
      %add3A_242 = arith.addf %add3A_241, %exp3A_239 : vector<16xf32>
      %div3A_243 = arith.constant 1.000000e+00 : f32
      %div3A_244 = vector.broadcast %div3A_243 : f32 to vector<16xf32>
      %div3A_245 = arith.divf %div3A_244, %add3A_242 : vector<16xf32>
      %broadcast_in_dim3A_246 = arith.constant 7 : i32
      %broadcast_in_dim3A_247 = vector.broadcast %broadcast_in_dim3A_246 : i32 to vector<16xi32>
      %gather3A_248 = tpu.vector_load_idx %arg6[%broadcast_in_dim3A_247, %get3A_107] : memref<8x1024xf32, #tpu.memory_space<vmem>>[vector<16xi32>, vector<16xi32>], vector<16xf32>,
      %gather3A_249 = tpu.vector_load_idx %arg6[%broadcast_in_dim3A_247, %get3A_111] : memref<8x1024xf32, #tpu.memory_space<vmem>>[vector<16xi32>, vector<16xi32>], vector<16xf32>,
      %gather3A_250 = tpu.vector_load_idx %arg6[%broadcast_in_dim3A_247, %get3A_115] : memref<8x1024xf32, #tpu.memory_space<vmem>>[vector<16xi32>, vector<16xi32>], vector<16xf32>,
      %gather3A_251 = tpu.vector_load_idx %arg6[%broadcast_in_dim3A_247, %get3A_119] : memref<8x1024xf32, #tpu.memory_space<vmem>>[vector<16xi32>, vector<16xi32>], vector<16xf32>,
      %gather3A_252 = tpu.vector_load_idx %arg6[%broadcast_in_dim3A_247, %get3A_123] : memref<8x1024xf32, #tpu.memory_space<vmem>>[vector<16xi32>, vector<16xi32>], vector<16xf32>,
      %add3A_253 = arith.addf %gather3A_248, %gather3A_249 : vector<16xf32>
      %add3A_254 = arith.addf %gather3A_250, %gather3A_251 : vector<16xf32>
      %add3A_255 = arith.addf %add3A_253, %add3A_254 : vector<16xf32>
      %add3A_256 = arith.addf %add3A_255, %gather3A_252 : vector<16xf32>
      %exp3A_257 = math.exp %add3A_256 : vector<16xf32>
      %add3A_258 = arith.constant 1.000000e+00 : f32
      %add3A_259 = vector.broadcast %add3A_258 : f32 to vector<16xf32>
      %add3A_260 = arith.addf %add3A_259, %exp3A_257 : vector<16xf32>
      %div3A_261 = arith.constant 1.000000e+00 : f32
      %div3A_262 = vector.broadcast %div3A_261 : f32 to vector<16xf32>
      %div3A_263 = arith.divf %div3A_262, %add3A_260 : vector<16xf32>
      %swap3A = arith.constant 0 : i32
      %swap3A_264 = arith.index_cast %swap3A : i32 to index
      %swap3A_265 = arith.index_cast %mul3A_104 : i32 to index
      %swap3A_266 = tpu.vector_load %arg8[%swap3A_264, %swap3A_265] {strides = array<i32>} : memref<8x4096xf32, #tpu.memory_space<vmem>>, vector<16xf32>,
      tpu.vector_store %arg8[%swap3A_264, %swap3A_265], %div3A_137 {strides = array<i32>} : memref<8x4096xf32, #tpu.memory_space<vmem>>, vector<16xf32>,
      %swap3A_267 = arith.constant 1 : i32
      %swap3A_268 = arith.index_cast %swap3A_267 : i32 to index
      %swap3A_269 = arith.index_cast %mul3A_104 : i32 to index
      %swap3A_270 = tpu.vector_load %arg8[%swap3A_268, %swap3A_269] {strides = array<i32>} : memref<8x4096xf32, #tpu.memory_space<vmem>>, vector<16xf32>,
      tpu.vector_store %arg8[%swap3A_268, %swap3A_269], %div3A_155 {strides = array<i32>} : memref<8x4096xf32, #tpu.memory_space<vmem>>, vector<16xf32>,
      %swap3A_271 = arith.constant 2 : i32
      %swap3A_272 = arith.index_cast %swap3A_271 : i32 to index
      %swap3A_273 = arith.index_cast %mul3A_104 : i32 to index
      %swap3A_274 = tpu.vector_load %arg8[%swap3A_272, %swap3A_273] {strides = array<i32>} : memref<8x4096xf32, #tpu.memory_space<vmem>>, vector<16xf32>,
      tpu.vector_store %arg8[%swap3A_272, %swap3A_273], %div3A_173 {strides = array<i32>} : memref<8x4096xf32, #tpu.memory_space<vmem>>, vector<16xf32>,
      %swap3A_275 = arith.constant 3 : i32
      %swap3A_276 = arith.index_cast %swap3A_275 : i32 to index
      %swap3A_277 = arith.index_cast %mul3A_104 : i32 to index
      %swap3A_278 = tpu.vector_load %arg8[%swap3A_276, %swap3A_277] {strides = array<i32>} : memref<8x4096xf32, #tpu.memory_space<vmem>>, vector<16xf32>,
      tpu.vector_store %arg8[%swap3A_276, %swap3A_277], %div3A_191 {strides = array<i32>} : memref<8x4096xf32, #tpu.memory_space<vmem>>, vector<16xf32>,
      %swap3A_279 = arith.constant 4 : i32
      %swap3A_280 = arith.index_cast %swap3A_279 : i32 to index
      %swap3A_281 = arith.index_cast %mul3A_104 : i32 to index
      %swap3A_282 = tpu.vector_load %arg8[%swap3A_280, %swap3A_281] {strides = array<i32>} : memref<8x4096xf32, #tpu.memory_space<vmem>>, vector<16xf32>,
      tpu.vector_store %arg8[%swap3A_280, %swap3A_281], %div3A_209 {strides = array<i32>} : memref<8x4096xf32, #tpu.memory_space<vmem>>, vector<16xf32>,
      %swap3A_283 = arith.constant 5 : i32
      %swap3A_284 = arith.index_cast %swap3A_283 : i32 to index
      %swap3A_285 = arith.index_cast %mul3A_104 : i32 to index
      %swap3A_286 = tpu.vector_load %arg8[%swap3A_284, %swap3A_285] {strides = array<i32>} : memref<8x4096xf32, #tpu.memory_space<vmem>>, vector<16xf32>,
      tpu.vector_store %arg8[%swap3A_284, %swap3A_285], %div3A_227 {strides = array<i32>} : memref<8x4096xf32, #tpu.memory_space<vmem>>, vector<16xf32>,
      %swap3A_287 = arith.constant 6 : i32
      %swap3A_288 = arith.index_cast %swap3A_287 : i32 to index
      %swap3A_289 = arith.index_cast %mul3A_104 : i32 to index
      %swap3A_290 = tpu.vector_load %arg8[%swap3A_288, %swap3A_289] {strides = array<i32>} : memref<8x4096xf32, #tpu.memory_space<vmem>>, vector<16xf32>,
      tpu.vector_store %arg8[%swap3A_288, %swap3A_289], %div3A_245 {strides = array<i32>} : memref<8x4096xf32, #tpu.memory_space<vmem>>, vector<16xf32>,
      %swap3A_291 = arith.constant 7 : i32
      %swap3A_292 = arith.index_cast %swap3A_291 : i32 to index
      %swap3A_293 = arith.index_cast %mul3A_104 : i32 to index
      %swap3A_294 = tpu.vector_load %arg8[%swap3A_292, %swap3A_293] {strides = array<i32>} : memref<8x4096xf32, #tpu.memory_space<vmem>>, vector<16xf32>,
      tpu.vector_store %arg8[%swap3A_292, %swap3A_293], %div3A_263 {strides = array<i32>} : memref<8x4096xf32, #tpu.memory_space<vmem>>, vector<16xf32>,
    }
    %scan3A_20 = arith.constant 256 : i32
    %dma_start3A_21 = arith.constant 0 : i32
    %dma_start3A_22 = tpu.memref_slice %arg4[%add3A_7, %dma_start3A_21] : memref<1024x4096xf32, #tpu.memory_space<hbm>> -> memref<8x4096xf32, #tpu.memory_space<hbm>>
    %dma_start3A_23 = arith.constant 0 : i32
    %dma_start3A_24 = tpu.memref_slice %arg4[%add3A_7, %dma_start3A_23] : memref<1024x4096xf32, #tpu.memory_space<hbm>> -> memref<8x4096xf32, #tpu.memory_space<hbm>>
    tpu.enqueue_dma source(%arg8 : memref<8x4096xf32, #tpu.memory_space<vmem>>) target(%dma_start3A_24 : memref<8x4096xf32, #tpu.memory_space<hbm>>) target_semaphore(%arg13 : memref<!tpu.dma_semaphore, #tpu.memory_space<semaphore_mem>>)
    %add3A_25 = arith.constant 8 : i32
    %add3A_26 = arith.addi %mul3A_2, %add3A_25 : i32
    %dma_wait3A_27 = arith.constant 0 : i32
    %dma_wait3A_28 = tpu.memref_slice %arg2[%add3A_12, %dma_wait3A_27] : memref<1024x1024xf32, #tpu.memory_space<hbm>> -> memref<8x1024xf32, #tpu.memory_space<hbm>>
    %dma_wait3A_29 = arith.constant 0 : i32
    %dma_wait3A_30 = tpu.memref_slice %arg2[%add3A_12, %dma_wait3A_29] : memref<1024x1024xf32, #tpu.memory_space<hbm>> -> memref<8x1024xf32, #tpu.memory_space<hbm>>
    tpu.wait_dma2 semaphore(%arg12 : memref<!tpu.dma_semaphore, #tpu.memory_space<semaphore_mem>>) src(%dma_wait3A_30 : memref<8x1024xf32, #tpu.memory_space<hbm>>) dst(%arg7 : memref<8x1024xf32, #tpu.memory_space<vmem>>)
    %add3A_31 = arith.constant 8 : i32
    %add3A_32 = arith.addi %add3A_26, %add3A_31 : i32
    %dma_start3A_33 = arith.constant 0 : i32
    %dma_start3A_34 = tpu.memref_slice %arg2[%add3A_32, %dma_start3A_33] : memref<1024x1024xf32, #tpu.memory_space<hbm>> -> memref<8x1024xf32, #tpu.memory_space<hbm>>
    %dma_start3A_35 = arith.constant 0 : i32
    %dma_start3A_36 = tpu.memref_slice %arg2[%add3A_32, %dma_start3A_35] : memref<1024x1024xf32, #tpu.memory_space<hbm>> -> memref<8x1024xf32, #tpu.memory_space<hbm>>
    tpu.enqueue_dma source(%dma_start3A_36 : memref<8x1024xf32, #tpu.memory_space<hbm>>) target(%arg6 : memref<8x1024xf32, #tpu.memory_space<vmem>>) target_semaphore(%arg11 : memref<!tpu.dma_semaphore, #tpu.memory_space<semaphore_mem>>)
    %scan3A_37 = arith.constant 0 : i32
    %scan3A_38 = arith.constant 256 : i32
    %scan3A_39 = arith.addi %scan3A_37, %scan3A_38 : i32
    %scan3A_40 = arith.constant 1 : i32
    scf.for %scan3A_98 = %scan3A_37 to %scan3A_39 step %scan3A_40  : i32 {
      %mul3A_99 = arith.constant 1 : i32
      %mul3A_100 = arith.muli %scan3A_98, %mul3A_99 : i32
      %add3A_101 = arith.constant 0 : i32
      %add3A_102 = arith.addi %add3A_101, %mul3A_100 : i32
      %mul3A_103 = arith.constant 16 : i32
      %mul3A_104 = arith.muli %add3A_102, %mul3A_103 : i32
      %get3A = arith.constant 0 : i32
      %get3A_105 = arith.index_cast %get3A : i32 to index
      %get3A_106 = arith.index_cast %mul3A_104 : i32 to index
      %get3A_107 = tpu.vector_load %arg5[%get3A_105, %get3A_106] {strides = array<i32>} : memref<5x4096xi32, #tpu.memory_space<vmem>>, vector<16xi32>,
      %get3A_108 = arith.constant 1 : i32
      %get3A_109 = arith.index_cast %get3A_108 : i32 to index
      %get3A_110 = arith.index_cast %mul3A_104 : i32 to index
      %get3A_111 = tpu.vector_load %arg5[%get3A_109, %get3A_110] {strides = array<i32>} : memref<5x4096xi32, #tpu.memory_space<vmem>>, vector<16xi32>,
      %get3A_112 = arith.constant 2 : i32
      %get3A_113 = arith.index_cast %get3A_112 : i32 to index
      %get3A_114 = arith.index_cast %mul3A_104 : i32 to index
      %get3A_115 = tpu.vector_load %arg5[%get3A_113, %get3A_114] {strides = array<i32>} : memref<5x4096xi32, #tpu.memory_space<vmem>>, vector<16xi32>,
      %get3A_116 = arith.constant 3 : i32
      %get3A_117 = arith.index_cast %get3A_116 : i32 to index
      %get3A_118 = arith.index_cast %mul3A_104 : i32 to index
      %get3A_119 = tpu.vector_load %arg5[%get3A_117, %get3A_118] {strides = array<i32>} : memref<5x4096xi32, #tpu.memory_space<vmem>>, vector<16xi32>,
      %get3A_120 = arith.constant 4 : i32
      %get3A_121 = arith.index_cast %get3A_120 : i32 to index
      %get3A_122 = arith.index_cast %mul3A_104 : i32 to index
      %get3A_123 = tpu.vector_load %arg5[%get3A_121, %get3A_122] {strides = array<i32>} : memref<5x4096xi32, #tpu.memory_space<vmem>>, vector<16xi32>,
      %broadcast_in_dim3A = arith.constant 0 : i32
      %broadcast_in_dim3A_124 = vector.broadcast %broadcast_in_dim3A : i32 to vector<16xi32>
      %gather3A = tpu.vector_load_idx %arg7[%broadcast_in_dim3A_124, %get3A_107] : memref<8x1024xf32, #tpu.memory_space<vmem>>[vector<16xi32>, vector<16xi32>], vector<16xf32>,
      %gather3A_125 = tpu.vector_load_idx %arg7[%broadcast_in_dim3A_124, %get3A_111] : memref<8x1024xf32, #tpu.memory_space<vmem>>[vector<16xi32>, vector<16xi32>], vector<16xf32>,
      %gather3A_126 = tpu.vector_load_idx %arg7[%broadcast_in_dim3A_124, %get3A_115] : memref<8x1024xf32, #tpu.memory_space<vmem>>[vector<16xi32>, vector<16xi32>], vector<16xf32>,
      %gather3A_127 = tpu.vector_load_idx %arg7[%broadcast_in_dim3A_124, %get3A_119] : memref<8x1024xf32, #tpu.memory_space<vmem>>[vector<16xi32>, vector<16xi32>], vector<16xf32>,
      %gather3A_128 = tpu.vector_load_idx %arg7[%broadcast_in_dim3A_124, %get3A_123] : memref<8x1024xf32, #tpu.memory_space<vmem>>[vector<16xi32>, vector<16xi32>], vector<16xf32>,
      %add3A_129 = arith.addf %gather3A, %gather3A_125 : vector<16xf32>
      %add3A_130 = arith.addf %gather3A_126, %gather3A_127 : vector<16xf32>
      %add3A_131 = arith.addf %add3A_129, %add3A_130 : vector<16xf32>
      %add3A_132 = arith.addf %add3A_131, %gather3A_128 : vector<16xf32>
      %exp3A = math.exp %add3A_132 : vector<16xf32>
      %add3A_133 = arith.constant 1.000000e+00 : f32
      %add3A_134 = vector.broadcast %add3A_133 : f32 to vector<16xf32>
      %add3A_135 = arith.addf %add3A_134, %exp3A : vector<16xf32>
      %div3A = arith.constant 1.000000e+00 : f32
      %div3A_136 = vector.broadcast %div3A : f32 to vector<16xf32>
      %div3A_137 = arith.divf %div3A_136, %add3A_135 : vector<16xf32>
      %broadcast_in_dim3A_138 = arith.constant 1 : i32
      %broadcast_in_dim3A_139 = vector.broadcast %broadcast_in_dim3A_138 : i32 to vector<16xi32>
      %gather3A_140 = tpu.vector_load_idx %arg7[%broadcast_in_dim3A_139, %get3A_107] : memref<8x1024xf32, #tpu.memory_space<vmem>>[vector<16xi32>, vector<16xi32>], vector<16xf32>,
      %gather3A_141 = tpu.vector_load_idx %arg7[%broadcast_in_dim3A_139, %get3A_111] : memref<8x1024xf32, #tpu.memory_space<vmem>>[vector<16xi32>, vector<16xi32>], vector<16xf32>,
      %gather3A_142 = tpu.vector_load_idx %arg7[%broadcast_in_dim3A_139, %get3A_115] : memref<8x1024xf32, #tpu.memory_space<vmem>>[vector<16xi32>, vector<16xi32>], vector<16xf32>,
      %gather3A_143 = tpu.vector_load_idx %arg7[%broadcast_in_dim3A_139, %get3A_119] : memref<8x1024xf32, #tpu.memory_space<vmem>>[vector<16xi32>, vector<16xi32>], vector<16xf32>,
      %gather3A_144 = tpu.vector_load_idx %arg7[%broadcast_in_dim3A_139, %get3A_123] : memref<8x1024xf32, #tpu.memory_space<vmem>>[vector<16xi32>, vector<16xi32>], vector<16xf32>,
      %add3A_145 = arith.addf %gather3A_140, %gather3A_141 : vector<16xf32>
      %add3A_146 = arith.addf %gather3A_142, %gather3A_143 : vector<16xf32>
      %add3A_147 = arith.addf %add3A_145, %add3A_146 : vector<16xf32>
      %add3A_148 = arith.addf %add3A_147, %gather3A_144 : vector<16xf32>
      %exp3A_149 = math.exp %add3A_148 : vector<16xf32>
      %add3A_150 = arith.constant 1.000000e+00 : f32
      %add3A_151 = vector.broadcast %add3A_150 : f32 to vector<16xf32>
      %add3A_152 = arith.addf %add3A_151, %exp3A_149 : vector<16xf32>
      %div3A_153 = arith.constant 1.000000e+00 : f32
      %div3A_154 = vector.broadcast %div3A_153 : f32 to vector<16xf32>
      %div3A_155 = arith.divf %div3A_154, %add3A_152 : vector<16xf32>
      %broadcast_in_dim3A_156 = arith.constant 2 : i32
      %broadcast_in_dim3A_157 = vector.broadcast %broadcast_in_dim3A_156 : i32 to vector<16xi32>
      %gather3A_158 = tpu.vector_load_idx %arg7[%broadcast_in_dim3A_157, %get3A_107] : memref<8x1024xf32, #tpu.memory_space<vmem>>[vector<16xi32>, vector<16xi32>], vector<16xf32>,
      %gather3A_159 = tpu.vector_load_idx %arg7[%broadcast_in_dim3A_157, %get3A_111] : memref<8x1024xf32, #tpu.memory_space<vmem>>[vector<16xi32>, vector<16xi32>], vector<16xf32>,
      %gather3A_160 = tpu.vector_load_idx %arg7[%broadcast_in_dim3A_157, %get3A_115] : memref<8x1024xf32, #tpu.memory_space<vmem>>[vector<16xi32>, vector<16xi32>], vector<16xf32>,
      %gather3A_161 = tpu.vector_load_idx %arg7[%broadcast_in_dim3A_157, %get3A_119] : memref<8x1024xf32, #tpu.memory_space<vmem>>[vector<16xi32>, vector<16xi32>], vector<16xf32>,
      %gather3A_162 = tpu.vector_load_idx %arg7[%broadcast_in_dim3A_157, %get3A_123] : memref<8x1024xf32, #tpu.memory_space<vmem>>[vector<16xi32>, vector<16xi32>], vector<16xf32>,
      %add3A_163 = arith.addf %gather3A_158, %gather3A_159 : vector<16xf32>
      %add3A_164 = arith.addf %gather3A_160, %gather3A_161 : vector<16xf32>
      %add3A_165 = arith.addf %add3A_163, %add3A_164 : vector<16xf32>
      %add3A_166 = arith.addf %add3A_165, %gather3A_162 : vector<16xf32>
      %exp3A_167 = math.exp %add3A_166 : vector<16xf32>
      %add3A_168 = arith.constant 1.000000e+00 : f32
      %add3A_169 = vector.broadcast %add3A_168 : f32 to vector<16xf32>
      %add3A_170 = arith.addf %add3A_169, %exp3A_167 : vector<16xf32>
      %div3A_171 = arith.constant 1.000000e+00 : f32
      %div3A_172 = vector.broadcast %div3A_171 : f32 to vector<16xf32>
      %div3A_173 = arith.divf %div3A_172, %add3A_170 : vector<16xf32>
      %broadcast_in_dim3A_174 = arith.constant 3 : i32
      %broadcast_in_dim3A_175 = vector.broadcast %broadcast_in_dim3A_174 : i32 to vector<16xi32>
      %gather3A_176 = tpu.vector_load_idx %arg7[%broadcast_in_dim3A_175, %get3A_107] : memref<8x1024xf32, #tpu.memory_space<vmem>>[vector<16xi32>, vector<16xi32>], vector<16xf32>,
      %gather3A_177 = tpu.vector_load_idx %arg7[%broadcast_in_dim3A_175, %get3A_111] : memref<8x1024xf32, #tpu.memory_space<vmem>>[vector<16xi32>, vector<16xi32>], vector<16xf32>,
      %gather3A_178 = tpu.vector_load_idx %arg7[%broadcast_in_dim3A_175, %get3A_115] : memref<8x1024xf32, #tpu.memory_space<vmem>>[vector<16xi32>, vector<16xi32>], vector<16xf32>,
      %gather3A_179 = tpu.vector_load_idx %arg7[%broadcast_in_dim3A_175, %get3A_119] : memref<8x1024xf32, #tpu.memory_space<vmem>>[vector<16xi32>, vector<16xi32>], vector<16xf32>,
      %gather3A_180 = tpu.vector_load_idx %arg7[%broadcast_in_dim3A_175, %get3A_123] : memref<8x1024xf32, #tpu.memory_space<vmem>>[vector<16xi32>, vector<16xi32>], vector<16xf32>,
      %add3A_181 = arith.addf %gather3A_176, %gather3A_177 : vector<16xf32>
      %add3A_182 = arith.addf %gather3A_178, %gather3A_179 : vector<16xf32>
      %add3A_183 = arith.addf %add3A_181, %add3A_182 : vector<16xf32>
      %add3A_184 = arith.addf %add3A_183, %gather3A_180 : vector<16xf32>
      %exp3A_185 = math.exp %add3A_184 : vector<16xf32>
      %add3A_186 = arith.constant 1.000000e+00 : f32
      %add3A_187 = vector.broadcast %add3A_186 : f32 to vector<16xf32>
      %add3A_188 = arith.addf %add3A_187, %exp3A_185 : vector<16xf32>
      %div3A_189 = arith.constant 1.000000e+00 : f32
      %div3A_190 = vector.broadcast %div3A_189 : f32 to vector<16xf32>
      %div3A_191 = arith.divf %div3A_190, %add3A_188 : vector<16xf32>
      %broadcast_in_dim3A_192 = arith.constant 4 : i32
      %broadcast_in_dim3A_193 = vector.broadcast %broadcast_in_dim3A_192 : i32 to vector<16xi32>
      %gather3A_194 = tpu.vector_load_idx %arg7[%broadcast_in_dim3A_193, %get3A_107] : memref<8x1024xf32, #tpu.memory_space<vmem>>[vector<16xi32>, vector<16xi32>], vector<16xf32>,
      %gather3A_195 = tpu.vector_load_idx %arg7[%broadcast_in_dim3A_193, %get3A_111] : memref<8x1024xf32, #tpu.memory_space<vmem>>[vector<16xi32>, vector<16xi32>], vector<16xf32>,
      %gather3A_196 = tpu.vector_load_idx %arg7[%broadcast_in_dim3A_193, %get3A_115] : memref<8x1024xf32, #tpu.memory_space<vmem>>[vector<16xi32>, vector<16xi32>], vector<16xf32>,
      %gather3A_197 = tpu.vector_load_idx %arg7[%broadcast_in_dim3A_193, %get3A_119] : memref<8x1024xf32, #tpu.memory_space<vmem>>[vector<16xi32>, vector<16xi32>], vector<16xf32>,
      %gather3A_198 = tpu.vector_load_idx %arg7[%broadcast_in_dim3A_193, %get3A_123] : memref<8x1024xf32, #tpu.memory_space<vmem>>[vector<16xi32>, vector<16xi32>], vector<16xf32>,
      %add3A_199 = arith.addf %gather3A_194, %gather3A_195 : vector<16xf32>
      %add3A_200 = arith.addf %gather3A_196, %gather3A_197 : vector<16xf32>
      %add3A_201 = arith.addf %add3A_199, %add3A_200 : vector<16xf32>
      %add3A_202 = arith.addf %add3A_201, %gather3A_198 : vector<16xf32>
      %exp3A_203 = math.exp %add3A_202 : vector<16xf32>
      %add3A_204 = arith.constant 1.000000e+00 : f32
      %add3A_205 = vector.broadcast %add3A_204 : f32 to vector<16xf32>
      %add3A_206 = arith.addf %add3A_205, %exp3A_203 : vector<16xf32>
      %div3A_207 = arith.constant 1.000000e+00 : f32
      %div3A_208 = vector.broadcast %div3A_207 : f32 to vector<16xf32>
      %div3A_209 = arith.divf %div3A_208, %add3A_206 : vector<16xf32>
      %broadcast_in_dim3A_210 = arith.constant 5 : i32
      %broadcast_in_dim3A_211 = vector.broadcast %broadcast_in_dim3A_210 : i32 to vector<16xi32>
      %gather3A_212 = tpu.vector_load_idx %arg7[%broadcast_in_dim3A_211, %get3A_107] : memref<8x1024xf32, #tpu.memory_space<vmem>>[vector<16xi32>, vector<16xi32>], vector<16xf32>,
      %gather3A_213 = tpu.vector_load_idx %arg7[%broadcast_in_dim3A_211, %get3A_111] : memref<8x1024xf32, #tpu.memory_space<vmem>>[vector<16xi32>, vector<16xi32>], vector<16xf32>,
      %gather3A_214 = tpu.vector_load_idx %arg7[%broadcast_in_dim3A_211, %get3A_115] : memref<8x1024xf32, #tpu.memory_space<vmem>>[vector<16xi32>, vector<16xi32>], vector<16xf32>,
      %gather3A_215 = tpu.vector_load_idx %arg7[%broadcast_in_dim3A_211, %get3A_119] : memref<8x1024xf32, #tpu.memory_space<vmem>>[vector<16xi32>, vector<16xi32>], vector<16xf32>,
      %gather3A_216 = tpu.vector_load_idx %arg7[%broadcast_in_dim3A_211, %get3A_123] : memref<8x1024xf32, #tpu.memory_space<vmem>>[vector<16xi32>, vector<16xi32>], vector<16xf32>,
      %add3A_217 = arith.addf %gather3A_212, %gather3A_213 : vector<16xf32>
      %add3A_218 = arith.addf %gather3A_214, %gather3A_215 : vector<16xf32>
      %add3A_219 = arith.addf %add3A_217, %add3A_218 : vector<16xf32>
      %add3A_220 = arith.addf %add3A_219, %gather3A_216 : vector<16xf32>
      %exp3A_221 = math.exp %add3A_220 : vector<16xf32>
      %add3A_222 = arith.constant 1.000000e+00 : f32
      %add3A_223 = vector.broadcast %add3A_222 : f32 to vector<16xf32>
      %add3A_224 = arith.addf %add3A_223, %exp3A_221 : vector<16xf32>
      %div3A_225 = arith.constant 1.000000e+00 : f32
      %div3A_226 = vector.broadcast %div3A_225 : f32 to vector<16xf32>
      %div3A_227 = arith.divf %div3A_226, %add3A_224 : vector<16xf32>
      %broadcast_in_dim3A_228 = arith.constant 6 : i32
      %broadcast_in_dim3A_229 = vector.broadcast %broadcast_in_dim3A_228 : i32 to vector<16xi32>
      %gather3A_230 = tpu.vector_load_idx %arg7[%broadcast_in_dim3A_229, %get3A_107] : memref<8x1024xf32, #tpu.memory_space<vmem>>[vector<16xi32>, vector<16xi32>], vector<16xf32>,
      %gather3A_231 = tpu.vector_load_idx %arg7[%broadcast_in_dim3A_229, %get3A_111] : memref<8x1024xf32, #tpu.memory_space<vmem>>[vector<16xi32>, vector<16xi32>], vector<16xf32>,
      %gather3A_232 = tpu.vector_load_idx %arg7[%broadcast_in_dim3A_229, %get3A_115] : memref<8x1024xf32, #tpu.memory_space<vmem>>[vector<16xi32>, vector<16xi32>], vector<16xf32>,
      %gather3A_233 = tpu.vector_load_idx %arg7[%broadcast_in_dim3A_229, %get3A_119] : memref<8x1024xf32, #tpu.memory_space<vmem>>[vector<16xi32>, vector<16xi32>], vector<16xf32>,
      %gather3A_234 = tpu.vector_load_idx %arg7[%broadcast_in_dim3A_229, %get3A_123] : memref<8x1024xf32, #tpu.memory_space<vmem>>[vector<16xi32>, vector<16xi32>], vector<16xf32>,
      %add3A_235 = arith.addf %gather3A_230, %gather3A_231 : vector<16xf32>
      %add3A_236 = arith.addf %gather3A_232, %gather3A_233 : vector<16xf32>
      %add3A_237 = arith.addf %add3A_235, %add3A_236 : vector<16xf32>
      %add3A_238 = arith.addf %add3A_237, %gather3A_234 : vector<16xf32>
      %exp3A_239 = math.exp %add3A_238 : vector<16xf32>
      %add3A_240 = arith.constant 1.000000e+00 : f32
      %add3A_241 = vector.broadcast %add3A_240 : f32 to vector<16xf32>
      %add3A_242 = arith.addf %add3A_241, %exp3A_239 : vector<16xf32>
      %div3A_243 = arith.constant 1.000000e+00 : f32
      %div3A_244 = vector.broadcast %div3A_243 : f32 to vector<16xf32>
      %div3A_245 = arith.divf %div3A_244, %add3A_242 : vector<16xf32>
      %broadcast_in_dim3A_246 = arith.constant 7 : i32
      %broadcast_in_dim3A_247 = vector.broadcast %broadcast_in_dim3A_246 : i32 to vector<16xi32>
      %gather3A_248 = tpu.vector_load_idx %arg7[%broadcast_in_dim3A_247, %get3A_107] : memref<8x1024xf32, #tpu.memory_space<vmem>>[vector<16xi32>, vector<16xi32>], vector<16xf32>,
      %gather3A_249 = tpu.vector_load_idx %arg7[%broadcast_in_dim3A_247, %get3A_111] : memref<8x1024xf32, #tpu.memory_space<vmem>>[vector<16xi32>, vector<16xi32>], vector<16xf32>,
      %gather3A_250 = tpu.vector_load_idx %arg7[%broadcast_in_dim3A_247, %get3A_115] : memref<8x1024xf32, #tpu.memory_space<vmem>>[vector<16xi32>, vector<16xi32>], vector<16xf32>,
      %gather3A_251 = tpu.vector_load_idx %arg7[%broadcast_in_dim3A_247, %get3A_119] : memref<8x1024xf32, #tpu.memory_space<vmem>>[vector<16xi32>, vector<16xi32>], vector<16xf32>,
      %gather3A_252 = tpu.vector_load_idx %arg7[%broadcast_in_dim3A_247, %get3A_123] : memref<8x1024xf32, #tpu.memory_space<vmem>>[vector<16xi32>, vector<16xi32>], vector<16xf32>,
      %add3A_253 = arith.addf %gather3A_248, %gather3A_249 : vector<16xf32>
      %add3A_254 = arith.addf %gather3A_250, %gather3A_251 : vector<16xf32>
      %add3A_255 = arith.addf %add3A_253, %add3A_254 : vector<16xf32>
      %add3A_256 = arith.addf %add3A_255, %gather3A_252 : vector<16xf32>
      %exp3A_257 = math.exp %add3A_256 : vector<16xf32>
      %add3A_258 = arith.constant 1.000000e+00 : f32
      %add3A_259 = vector.broadcast %add3A_258 : f32 to vector<16xf32>
      %add3A_260 = arith.addf %add3A_259, %exp3A_257 : vector<16xf32>
      %div3A_261 = arith.constant 1.000000e+00 : f32
      %div3A_262 = vector.broadcast %div3A_261 : f32 to vector<16xf32>
      %div3A_263 = arith.divf %div3A_262, %add3A_260 : vector<16xf32>
      %swap3A = arith.constant 0 : i32
      %swap3A_264 = arith.index_cast %swap3A : i32 to index
      %swap3A_265 = arith.index_cast %mul3A_104 : i32 to index
      %swap3A_266 = tpu.vector_load %arg9[%swap3A_264, %swap3A_265] {strides = array<i32>} : memref<8x4096xf32, #tpu.memory_space<vmem>>, vector<16xf32>,
      tpu.vector_store %arg9[%swap3A_264, %swap3A_265], %div3A_137 {strides = array<i32>} : memref<8x4096xf32, #tpu.memory_space<vmem>>, vector<16xf32>,
      %swap3A_267 = arith.constant 1 : i32
      %swap3A_268 = arith.index_cast %swap3A_267 : i32 to index
      %swap3A_269 = arith.index_cast %mul3A_104 : i32 to index
      %swap3A_270 = tpu.vector_load %arg9[%swap3A_268, %swap3A_269] {strides = array<i32>} : memref<8x4096xf32, #tpu.memory_space<vmem>>, vector<16xf32>,
      tpu.vector_store %arg9[%swap3A_268, %swap3A_269], %div3A_155 {strides = array<i32>} : memref<8x4096xf32, #tpu.memory_space<vmem>>, vector<16xf32>,
      %swap3A_271 = arith.constant 2 : i32
      %swap3A_272 = arith.index_cast %swap3A_271 : i32 to index
      %swap3A_273 = arith.index_cast %mul3A_104 : i32 to index
      %swap3A_274 = tpu.vector_load %arg9[%swap3A_272, %swap3A_273] {strides = array<i32>} : memref<8x4096xf32, #tpu.memory_space<vmem>>, vector<16xf32>,
      tpu.vector_store %arg9[%swap3A_272, %swap3A_273], %div3A_173 {strides = array<i32>} : memref<8x4096xf32, #tpu.memory_space<vmem>>, vector<16xf32>,
      %swap3A_275 = arith.constant 3 : i32
      %swap3A_276 = arith.index_cast %swap3A_275 : i32 to index
      %swap3A_277 = arith.index_cast %mul3A_104 : i32 to index
      %swap3A_278 = tpu.vector_load %arg9[%swap3A_276, %swap3A_277] {strides = array<i32>} : memref<8x4096xf32, #tpu.memory_space<vmem>>, vector<16xf32>,
      tpu.vector_store %arg9[%swap3A_276, %swap3A_277], %div3A_191 {strides = array<i32>} : memref<8x4096xf32, #tpu.memory_space<vmem>>, vector<16xf32>,
      %swap3A_279 = arith.constant 4 : i32
      %swap3A_280 = arith.index_cast %swap3A_279 : i32 to index
      %swap3A_281 = arith.index_cast %mul3A_104 : i32 to index
      %swap3A_282 = tpu.vector_load %arg9[%swap3A_280, %swap3A_281] {strides = array<i32>} : memref<8x4096xf32, #tpu.memory_space<vmem>>, vector<16xf32>,
      tpu.vector_store %arg9[%swap3A_280, %swap3A_281], %div3A_209 {strides = array<i32>} : memref<8x4096xf32, #tpu.memory_space<vmem>>, vector<16xf32>,
      %swap3A_283 = arith.constant 5 : i32
      %swap3A_284 = arith.index_cast %swap3A_283 : i32 to index
      %swap3A_285 = arith.index_cast %mul3A_104 : i32 to index
      %swap3A_286 = tpu.vector_load %arg9[%swap3A_284, %swap3A_285] {strides = array<i32>} : memref<8x4096xf32, #tpu.memory_space<vmem>>, vector<16xf32>,
      tpu.vector_store %arg9[%swap3A_284, %swap3A_285], %div3A_227 {strides = array<i32>} : memref<8x4096xf32, #tpu.memory_space<vmem>>, vector<16xf32>,
      %swap3A_287 = arith.constant 6 : i32
      %swap3A_288 = arith.index_cast %swap3A_287 : i32 to index
      %swap3A_289 = arith.index_cast %mul3A_104 : i32 to index
      %swap3A_290 = tpu.vector_load %arg9[%swap3A_288, %swap3A_289] {strides = array<i32>} : memref<8x4096xf32, #tpu.memory_space<vmem>>, vector<16xf32>,
      tpu.vector_store %arg9[%swap3A_288, %swap3A_289], %div3A_245 {strides = array<i32>} : memref<8x4096xf32, #tpu.memory_space<vmem>>, vector<16xf32>,
      %swap3A_291 = arith.constant 7 : i32
      %swap3A_292 = arith.index_cast %swap3A_291 : i32 to index
      %swap3A_293 = arith.index_cast %mul3A_104 : i32 to index
      %swap3A_294 = tpu.vector_load %arg9[%swap3A_292, %swap3A_293] {strides = array<i32>} : memref<8x4096xf32, #tpu.memory_space<vmem>>, vector<16xf32>,
      tpu.vector_store %arg9[%swap3A_292, %swap3A_293], %div3A_263 {strides = array<i32>} : memref<8x4096xf32, #tpu.memory_space<vmem>>, vector<16xf32>,
    }
    %scan3A_41 = arith.constant 256 : i32
    %dma_start3A_42 = arith.constant 0 : i32
    %dma_start3A_43 = tpu.memref_slice %arg4[%add3A_26, %dma_start3A_42] : memref<1024x4096xf32, #tpu.memory_space<hbm>> -> memref<8x4096xf32, #tpu.memory_space<hbm>>
    %dma_start3A_44 = arith.constant 0 : i32
    %dma_start3A_45 = tpu.memref_slice %arg4[%add3A_26, %dma_start3A_44] : memref<1024x4096xf32, #tpu.memory_space<hbm>> -> memref<8x4096xf32, #tpu.memory_space<hbm>>
    tpu.enqueue_dma source(%arg9 : memref<8x4096xf32, #tpu.memory_space<vmem>>) target(%dma_start3A_45 : memref<8x4096xf32, #tpu.memory_space<hbm>>) target_semaphore(%arg14 : memref<!tpu.dma_semaphore, #tpu.memory_space<semaphore_mem>>)
    %add3A_46 = arith.constant 16 : i32
    %add3A_47 = arith.addi %mul3A_2, %add3A_46 : i32
    %dma_wait3A_48 = arith.constant 0 : i32
    %dma_wait3A_49 = tpu.memref_slice %arg2[%add3A_32, %dma_wait3A_48] : memref<1024x1024xf32, #tpu.memory_space<hbm>> -> memref<8x1024xf32, #tpu.memory_space<hbm>>
    %dma_wait3A_50 = arith.constant 0 : i32
    %dma_wait3A_51 = tpu.memref_slice %arg2[%add3A_32, %dma_wait3A_50] : memref<1024x1024xf32, #tpu.memory_space<hbm>> -> memref<8x1024xf32, #tpu.memory_space<hbm>>
    tpu.wait_dma2 semaphore(%arg11 : memref<!tpu.dma_semaphore, #tpu.memory_space<semaphore_mem>>) src(%dma_wait3A_51 : memref<8x1024xf32, #tpu.memory_space<hbm>>) dst(%arg6 : memref<8x1024xf32, #tpu.memory_space<vmem>>)
    %add3A_52 = arith.constant 8 : i32
    %add3A_53 = arith.addi %add3A_47, %add3A_52 : i32
    %dma_start3A_54 = arith.constant 0 : i32
    %dma_start3A_55 = tpu.memref_slice %arg2[%add3A_53, %dma_start3A_54] : memref<1024x1024xf32, #tpu.memory_space<hbm>> -> memref<8x1024xf32, #tpu.memory_space<hbm>>
    %dma_start3A_56 = arith.constant 0 : i32
    %dma_start3A_57 = tpu.memref_slice %arg2[%add3A_53, %dma_start3A_56] : memref<1024x1024xf32, #tpu.memory_space<hbm>> -> memref<8x1024xf32, #tpu.memory_space<hbm>>
    tpu.enqueue_dma source(%dma_start3A_57 : memref<8x1024xf32, #tpu.memory_space<hbm>>) target(%arg7 : memref<8x1024xf32, #tpu.memory_space<vmem>>) target_semaphore(%arg12 : memref<!tpu.dma_semaphore, #tpu.memory_space<semaphore_mem>>)
    %dma_wait3A_58 = arith.constant 0 : i32
    %dma_wait3A_59 = tpu.memref_slice %arg4[%add3A_7, %dma_wait3A_58] : memref<1024x4096xf32, #tpu.memory_space<hbm>> -> memref<8x4096xf32, #tpu.memory_space<hbm>>
    %dma_wait3A_60 = arith.constant 0 : i32
    %dma_wait3A_61 = tpu.memref_slice %arg4[%add3A_7, %dma_wait3A_60] : memref<1024x4096xf32, #tpu.memory_space<hbm>> -> memref<8x4096xf32, #tpu.memory_space<hbm>>
    tpu.wait_dma2 semaphore(%arg13 : memref<!tpu.dma_semaphore, #tpu.memory_space<semaphore_mem>>) src(%arg8 : memref<8x4096xf32, #tpu.memory_space<vmem>>) dst(%dma_wait3A_61 : memref<8x4096xf32, #tpu.memory_space<hbm>>)
    %scan3A_62 = arith.constant 0 : i32
    %scan3A_63 = arith.constant 256 : i32
    %scan3A_64 = arith.addi %scan3A_62, %scan3A_63 : i32
    %scan3A_65 = arith.constant 1 : i32
    scf.for %scan3A_98 = %scan3A_62 to %scan3A_64 step %scan3A_65  : i32 {
      %mul3A_99 = arith.constant 1 : i32
      %mul3A_100 = arith.muli %scan3A_98, %mul3A_99 : i32
      %add3A_101 = arith.constant 0 : i32
      %add3A_102 = arith.addi %add3A_101, %mul3A_100 : i32
      %mul3A_103 = arith.constant 16 : i32
      %mul3A_104 = arith.muli %add3A_102, %mul3A_103 : i32
      %get3A = arith.constant 0 : i32
      %get3A_105 = arith.index_cast %get3A : i32 to index
      %get3A_106 = arith.index_cast %mul3A_104 : i32 to index
      %get3A_107 = tpu.vector_load %arg5[%get3A_105, %get3A_106] {strides = array<i32>} : memref<5x4096xi32, #tpu.memory_space<vmem>>, vector<16xi32>,
      %get3A_108 = arith.constant 1 : i32
      %get3A_109 = arith.index_cast %get3A_108 : i32 to index
      %get3A_110 = arith.index_cast %mul3A_104 : i32 to index
      %get3A_111 = tpu.vector_load %arg5[%get3A_109, %get3A_110] {strides = array<i32>} : memref<5x4096xi32, #tpu.memory_space<vmem>>, vector<16xi32>,
      %get3A_112 = arith.constant 2 : i32
      %get3A_113 = arith.index_cast %get3A_112 : i32 to index
      %get3A_114 = arith.index_cast %mul3A_104 : i32 to index
      %get3A_115 = tpu.vector_load %arg5[%get3A_113, %get3A_114] {strides = array<i32>} : memref<5x4096xi32, #tpu.memory_space<vmem>>, vector<16xi32>,
      %get3A_116 = arith.constant 3 : i32
      %get3A_117 = arith.index_cast %get3A_116 : i32 to index
      %get3A_118 = arith.index_cast %mul3A_104 : i32 to index
      %get3A_119 = tpu.vector_load %arg5[%get3A_117, %get3A_118] {strides = array<i32>} : memref<5x4096xi32, #tpu.memory_space<vmem>>, vector<16xi32>,
      %get3A_120 = arith.constant 4 : i32
      %get3A_121 = arith.index_cast %get3A_120 : i32 to index
      %get3A_122 = arith.index_cast %mul3A_104 : i32 to index
      %get3A_123 = tpu.vector_load %arg5[%get3A_121, %get3A_122] {strides = array<i32>} : memref<5x4096xi32, #tpu.memory_space<vmem>>, vector<16xi32>,
      %broadcast_in_dim3A = arith.constant 0 : i32
      %broadcast_in_dim3A_124 = vector.broadcast %broadcast_in_dim3A : i32 to vector<16xi32>
      %gather3A = tpu.vector_load_idx %arg6[%broadcast_in_dim3A_124, %get3A_107] : memref<8x1024xf32, #tpu.memory_space<vmem>>[vector<16xi32>, vector<16xi32>], vector<16xf32>,
      %gather3A_125 = tpu.vector_load_idx %arg6[%broadcast_in_dim3A_124, %get3A_111] : memref<8x1024xf32, #tpu.memory_space<vmem>>[vector<16xi32>, vector<16xi32>], vector<16xf32>,
      %gather3A_126 = tpu.vector_load_idx %arg6[%broadcast_in_dim3A_124, %get3A_115] : memref<8x1024xf32, #tpu.memory_space<vmem>>[vector<16xi32>, vector<16xi32>], vector<16xf32>,
      %gather3A_127 = tpu.vector_load_idx %arg6[%broadcast_in_dim3A_124, %get3A_119] : memref<8x1024xf32, #tpu.memory_space<vmem>>[vector<16xi32>, vector<16xi32>], vector<16xf32>,
      %gather3A_128 = tpu.vector_load_idx %arg6[%broadcast_in_dim3A_124, %get3A_123] : memref<8x1024xf32, #tpu.memory_space<vmem>>[vector<16xi32>, vector<16xi32>], vector<16xf32>,
      %add3A_129 = arith.addf %gather3A, %gather3A_125 : vector<16xf32>
      %add3A_130 = arith.addf %gather3A_126, %gather3A_127 : vector<16xf32>
      %add3A_131 = arith.addf %add3A_129, %add3A_130 : vector<16xf32>
      %add3A_132 = arith.addf %add3A_131, %gather3A_128 : vector<16xf32>
      %exp3A = math.exp %add3A_132 : vector<16xf32>
      %add3A_133 = arith.constant 1.000000e+00 : f32
      %add3A_134 = vector.broadcast %add3A_133 : f32 to vector<16xf32>
      %add3A_135 = arith.addf %add3A_134, %exp3A : vector<16xf32>
      %div3A = arith.constant 1.000000e+00 : f32
      %div3A_136 = vector.broadcast %div3A : f32 to vector<16xf32>
      %div3A_137 = arith.divf %div3A_136, %add3A_135 : vector<16xf32>
      %broadcast_in_dim3A_138 = arith.constant 1 : i32
      %broadcast_in_dim3A_139 = vector.broadcast %broadcast_in_dim3A_138 : i32 to vector<16xi32>
      %gather3A_140 = tpu.vector_load_idx %arg6[%broadcast_in_dim3A_139, %get3A_107] : memref<8x1024xf32, #tpu.memory_space<vmem>>[vector<16xi32>, vector<16xi32>], vector<16xf32>,
      %gather3A_141 = tpu.vector_load_idx %arg6[%broadcast_in_dim3A_139, %get3A_111] : memref<8x1024xf32, #tpu.memory_space<vmem>>[vector<16xi32>, vector<16xi32>], vector<16xf32>,
      %gather3A_142 = tpu.vector_load_idx %arg6[%broadcast_in_dim3A_139, %get3A_115] : memref<8x1024xf32, #tpu.memory_space<vmem>>[vector<16xi32>, vector<16xi32>], vector<16xf32>,
      %gather3A_143 = tpu.vector_load_idx %arg6[%broadcast_in_dim3A_139, %get3A_119] : memref<8x1024xf32, #tpu.memory_space<vmem>>[vector<16xi32>, vector<16xi32>], vector<16xf32>,
      %gather3A_144 = tpu.vector_load_idx %arg6[%broadcast_in_dim3A_139, %get3A_123] : memref<8x1024xf32, #tpu.memory_space<vmem>>[vector<16xi32>, vector<16xi32>], vector<16xf32>,
      %add3A_145 = arith.addf %gather3A_140, %gather3A_141 : vector<16xf32>
      %add3A_146 = arith.addf %gather3A_142, %gather3A_143 : vector<16xf32>
      %add3A_147 = arith.addf %add3A_145, %add3A_146 : vector<16xf32>
      %add3A_148 = arith.addf %add3A_147, %gather3A_144 : vector<16xf32>
      %exp3A_149 = math.exp %add3A_148 : vector<16xf32>
      %add3A_150 = arith.constant 1.000000e+00 : f32
      %add3A_151 = vector.broadcast %add3A_150 : f32 to vector<16xf32>
      %add3A_152 = arith.addf %add3A_151, %exp3A_149 : vector<16xf32>
      %div3A_153 = arith.constant 1.000000e+00 : f32
      %div3A_154 = vector.broadcast %div3A_153 : f32 to vector<16xf32>
      %div3A_155 = arith.divf %div3A_154, %add3A_152 : vector<16xf32>
      %broadcast_in_dim3A_156 = arith.constant 2 : i32
      %broadcast_in_dim3A_157 = vector.broadcast %broadcast_in_dim3A_156 : i32 to vector<16xi32>
      %gather3A_158 = tpu.vector_load_idx %arg6[%broadcast_in_dim3A_157, %get3A_107] : memref<8x1024xf32, #tpu.memory_space<vmem>>[vector<16xi32>, vector<16xi32>], vector<16xf32>,
      %gather3A_159 = tpu.vector_load_idx %arg6[%broadcast_in_dim3A_157, %get3A_111] : memref<8x1024xf32, #tpu.memory_space<vmem>>[vector<16xi32>, vector<16xi32>], vector<16xf32>,
      %gather3A_160 = tpu.vector_load_idx %arg6[%broadcast_in_dim3A_157, %get3A_115] : memref<8x1024xf32, #tpu.memory_space<vmem>>[vector<16xi32>, vector<16xi32>], vector<16xf32>,
      %gather3A_161 = tpu.vector_load_idx %arg6[%broadcast_in_dim3A_157, %get3A_119] : memref<8x1024xf32, #tpu.memory_space<vmem>>[vector<16xi32>, vector<16xi32>], vector<16xf32>,
      %gather3A_162 = tpu.vector_load_idx %arg6[%broadcast_in_dim3A_157, %get3A_123] : memref<8x1024xf32, #tpu.memory_space<vmem>>[vector<16xi32>, vector<16xi32>], vector<16xf32>,
      %add3A_163 = arith.addf %gather3A_158, %gather3A_159 : vector<16xf32>
      %add3A_164 = arith.addf %gather3A_160, %gather3A_161 : vector<16xf32>
      %add3A_165 = arith.addf %add3A_163, %add3A_164 : vector<16xf32>
      %add3A_166 = arith.addf %add3A_165, %gather3A_162 : vector<16xf32>
      %exp3A_167 = math.exp %add3A_166 : vector<16xf32>
      %add3A_168 = arith.constant 1.000000e+00 : f32
      %add3A_169 = vector.broadcast %add3A_168 : f32 to vector<16xf32>
      %add3A_170 = arith.addf %add3A_169, %exp3A_167 : vector<16xf32>
      %div3A_171 = arith.constant 1.000000e+00 : f32
      %div3A_172 = vector.broadcast %div3A_171 : f32 to vector<16xf32>
      %div3A_173 = arith.divf %div3A_172, %add3A_170 : vector<16xf32>
      %broadcast_in_dim3A_174 = arith.constant 3 : i32
      %broadcast_in_dim3A_175 = vector.broadcast %broadcast_in_dim3A_174 : i32 to vector<16xi32>
      %gather3A_176 = tpu.vector_load_idx %arg6[%broadcast_in_dim3A_175, %get3A_107] : memref<8x1024xf32, #tpu.memory_space<vmem>>[vector<16xi32>, vector<16xi32>], vector<16xf32>,
      %gather3A_177 = tpu.vector_load_idx %arg6[%broadcast_in_dim3A_175, %get3A_111] : memref<8x1024xf32, #tpu.memory_space<vmem>>[vector<16xi32>, vector<16xi32>], vector<16xf32>,
      %gather3A_178 = tpu.vector_load_idx %arg6[%broadcast_in_dim3A_175, %get3A_115] : memref<8x1024xf32, #tpu.memory_space<vmem>>[vector<16xi32>, vector<16xi32>], vector<16xf32>,
      %gather3A_179 = tpu.vector_load_idx %arg6[%broadcast_in_dim3A_175, %get3A_119] : memref<8x1024xf32, #tpu.memory_space<vmem>>[vector<16xi32>, vector<16xi32>], vector<16xf32>,
      %gather3A_180 = tpu.vector_load_idx %arg6[%broadcast_in_dim3A_175, %get3A_123] : memref<8x1024xf32, #tpu.memory_space<vmem>>[vector<16xi32>, vector<16xi32>], vector<16xf32>,
      %add3A_181 = arith.addf %gather3A_176, %gather3A_177 : vector<16xf32>
      %add3A_182 = arith.addf %gather3A_178, %gather3A_179 : vector<16xf32>
      %add3A_183 = arith.addf %add3A_181, %add3A_182 : vector<16xf32>
      %add3A_184 = arith.addf %add3A_183, %gather3A_180 : vector<16xf32>
      %exp3A_185 = math.exp %add3A_184 : vector<16xf32>
      %add3A_186 = arith.constant 1.000000e+00 : f32
      %add3A_187 = vector.broadcast %add3A_186 : f32 to vector<16xf32>
      %add3A_188 = arith.addf %add3A_187, %exp3A_185 : vector<16xf32>
      %div3A_189 = arith.constant 1.000000e+00 : f32
      %div3A_190 = vector.broadcast %div3A_189 : f32 to vector<16xf32>
      %div3A_191 = arith.divf %div3A_190, %add3A_188 : vector<16xf32>
      %broadcast_in_dim3A_192 = arith.constant 4 : i32
      %broadcast_in_dim3A_193 = vector.broadcast %broadcast_in_dim3A_192 : i32 to vector<16xi32>
      %gather3A_194 = tpu.vector_load_idx %arg6[%broadcast_in_dim3A_193, %get3A_107] : memref<8x1024xf32, #tpu.memory_space<vmem>>[vector<16xi32>, vector<16xi32>], vector<16xf32>,
      %gather3A_195 = tpu.vector_load_idx %arg6[%broadcast_in_dim3A_193, %get3A_111] : memref<8x1024xf32, #tpu.memory_space<vmem>>[vector<16xi32>, vector<16xi32>], vector<16xf32>,
      %gather3A_196 = tpu.vector_load_idx %arg6[%broadcast_in_dim3A_193, %get3A_115] : memref<8x1024xf32, #tpu.memory_space<vmem>>[vector<16xi32>, vector<16xi32>], vector<16xf32>,
      %gather3A_197 = tpu.vector_load_idx %arg6[%broadcast_in_dim3A_193, %get3A_119] : memref<8x1024xf32, #tpu.memory_space<vmem>>[vector<16xi32>, vector<16xi32>], vector<16xf32>,
      %gather3A_198 = tpu.vector_load_idx %arg6[%broadcast_in_dim3A_193, %get3A_123] : memref<8x1024xf32, #tpu.memory_space<vmem>>[vector<16xi32>, vector<16xi32>], vector<16xf32>,
      %add3A_199 = arith.addf %gather3A_194, %gather3A_195 : vector<16xf32>
      %add3A_200 = arith.addf %gather3A_196, %gather3A_197 : vector<16xf32>
      %add3A_201 = arith.addf %add3A_199, %add3A_200 : vector<16xf32>
      %add3A_202 = arith.addf %add3A_201, %gather3A_198 : vector<16xf32>
      %exp3A_203 = math.exp %add3A_202 : vector<16xf32>
      %add3A_204 = arith.constant 1.000000e+00 : f32
      %add3A_205 = vector.broadcast %add3A_204 : f32 to vector<16xf32>
      %add3A_206 = arith.addf %add3A_205, %exp3A_203 : vector<16xf32>
      %div3A_207 = arith.constant 1.000000e+00 : f32
      %div3A_208 = vector.broadcast %div3A_207 : f32 to vector<16xf32>
      %div3A_209 = arith.divf %div3A_208, %add3A_206 : vector<16xf32>
      %broadcast_in_dim3A_210 = arith.constant 5 : i32
      %broadcast_in_dim3A_211 = vector.broadcast %broadcast_in_dim3A_210 : i32 to vector<16xi32>
      %gather3A_212 = tpu.vector_load_idx %arg6[%broadcast_in_dim3A_211, %get3A_107] : memref<8x1024xf32, #tpu.memory_space<vmem>>[vector<16xi32>, vector<16xi32>], vector<16xf32>,
      %gather3A_213 = tpu.vector_load_idx %arg6[%broadcast_in_dim3A_211, %get3A_111] : memref<8x1024xf32, #tpu.memory_space<vmem>>[vector<16xi32>, vector<16xi32>], vector<16xf32>,
      %gather3A_214 = tpu.vector_load_idx %arg6[%broadcast_in_dim3A_211, %get3A_115] : memref<8x1024xf32, #tpu.memory_space<vmem>>[vector<16xi32>, vector<16xi32>], vector<16xf32>,
      %gather3A_215 = tpu.vector_load_idx %arg6[%broadcast_in_dim3A_211, %get3A_119] : memref<8x1024xf32, #tpu.memory_space<vmem>>[vector<16xi32>, vector<16xi32>], vector<16xf32>,
      %gather3A_216 = tpu.vector_load_idx %arg6[%broadcast_in_dim3A_211, %get3A_123] : memref<8x1024xf32, #tpu.memory_space<vmem>>[vector<16xi32>, vector<16xi32>], vector<16xf32>,
      %add3A_217 = arith.addf %gather3A_212, %gather3A_213 : vector<16xf32>
      %add3A_218 = arith.addf %gather3A_214, %gather3A_215 : vector<16xf32>
      %add3A_219 = arith.addf %add3A_217, %add3A_218 : vector<16xf32>
      %add3A_220 = arith.addf %add3A_219, %gather3A_216 : vector<16xf32>
      %exp3A_221 = math.exp %add3A_220 : vector<16xf32>
      %add3A_222 = arith.constant 1.000000e+00 : f32
      %add3A_223 = vector.broadcast %add3A_222 : f32 to vector<16xf32>
      %add3A_224 = arith.addf %add3A_223, %exp3A_221 : vector<16xf32>
      %div3A_225 = arith.constant 1.000000e+00 : f32
      %div3A_226 = vector.broadcast %div3A_225 : f32 to vector<16xf32>
      %div3A_227 = arith.divf %div3A_226, %add3A_224 : vector<16xf32>
      %broadcast_in_dim3A_228 = arith.constant 6 : i32
      %broadcast_in_dim3A_229 = vector.broadcast %broadcast_in_dim3A_228 : i32 to vector<16xi32>
      %gather3A_230 = tpu.vector_load_idx %arg6[%broadcast_in_dim3A_229, %get3A_107] : memref<8x1024xf32, #tpu.memory_space<vmem>>[vector<16xi32>, vector<16xi32>], vector<16xf32>,
      %gather3A_231 = tpu.vector_load_idx %arg6[%broadcast_in_dim3A_229, %get3A_111] : memref<8x1024xf32, #tpu.memory_space<vmem>>[vector<16xi32>, vector<16xi32>], vector<16xf32>,
      %gather3A_232 = tpu.vector_load_idx %arg6[%broadcast_in_dim3A_229, %get3A_115] : memref<8x1024xf32, #tpu.memory_space<vmem>>[vector<16xi32>, vector<16xi32>], vector<16xf32>,
      %gather3A_233 = tpu.vector_load_idx %arg6[%broadcast_in_dim3A_229, %get3A_119] : memref<8x1024xf32, #tpu.memory_space<vmem>>[vector<16xi32>, vector<16xi32>], vector<16xf32>,
      %gather3A_234 = tpu.vector_load_idx %arg6[%broadcast_in_dim3A_229, %get3A_123] : memref<8x1024xf32, #tpu.memory_space<vmem>>[vector<16xi32>, vector<16xi32>], vector<16xf32>,
      %add3A_235 = arith.addf %gather3A_230, %gather3A_231 : vector<16xf32>
      %add3A_236 = arith.addf %gather3A_232, %gather3A_233 : vector<16xf32>
      %add3A_237 = arith.addf %add3A_235, %add3A_236 : vector<16xf32>
      %add3A_238 = arith.addf %add3A_237, %gather3A_234 : vector<16xf32>
      %exp3A_239 = math.exp %add3A_238 : vector<16xf32>
      %add3A_240 = arith.constant 1.000000e+00 : f32
      %add3A_241 = vector.broadcast %add3A_240 : f32 to vector<16xf32>
      %add3A_242 = arith.addf %add3A_241, %exp3A_239 : vector<16xf32>
      %div3A_243 = arith.constant 1.000000e+00 : f32
      %div3A_244 = vector.broadcast %div3A_243 : f32 to vector<16xf32>
      %div3A_245 = arith.divf %div3A_244, %add3A_242 : vector<16xf32>
      %broadcast_in_dim3A_246 = arith.constant 7 : i32
      %broadcast_in_dim3A_247 = vector.broadcast %broadcast_in_dim3A_246 : i32 to vector<16xi32>
      %gather3A_248 = tpu.vector_load_idx %arg6[%broadcast_in_dim3A_247, %get3A_107] : memref<8x1024xf32, #tpu.memory_space<vmem>>[vector<16xi32>, vector<16xi32>], vector<16xf32>,
      %gather3A_249 = tpu.vector_load_idx %arg6[%broadcast_in_dim3A_247, %get3A_111] : memref<8x1024xf32, #tpu.memory_space<vmem>>[vector<16xi32>, vector<16xi32>], vector<16xf32>,
      %gather3A_250 = tpu.vector_load_idx %arg6[%broadcast_in_dim3A_247, %get3A_115] : memref<8x1024xf32, #tpu.memory_space<vmem>>[vector<16xi32>, vector<16xi32>], vector<16xf32>,
      %gather3A_251 = tpu.vector_load_idx %arg6[%broadcast_in_dim3A_247, %get3A_119] : memref<8x1024xf32, #tpu.memory_space<vmem>>[vector<16xi32>, vector<16xi32>], vector<16xf32>,
      %gather3A_252 = tpu.vector_load_idx %arg6[%broadcast_in_dim3A_247, %get3A_123] : memref<8x1024xf32, #tpu.memory_space<vmem>>[vector<16xi32>, vector<16xi32>], vector<16xf32>,
      %add3A_253 = arith.addf %gather3A_248, %gather3A_249 : vector<16xf32>
      %add3A_254 = arith.addf %gather3A_250, %gather3A_251 : vector<16xf32>
      %add3A_255 = arith.addf %add3A_253, %add3A_254 : vector<16xf32>
      %add3A_256 = arith.addf %add3A_255, %gather3A_252 : vector<16xf32>
      %exp3A_257 = math.exp %add3A_256 : vector<16xf32>
      %add3A_258 = arith.constant 1.000000e+00 : f32
      %add3A_259 = vector.broadcast %add3A_258 : f32 to vector<16xf32>
      %add3A_260 = arith.addf %add3A_259, %exp3A_257 : vector<16xf32>
      %div3A_261 = arith.constant 1.000000e+00 : f32
      %div3A_262 = vector.broadcast %div3A_261 : f32 to vector<16xf32>
      %div3A_263 = arith.divf %div3A_262, %add3A_260 : vector<16xf32>
      %swap3A = arith.constant 0 : i32
      %swap3A_264 = arith.index_cast %swap3A : i32 to index
      %swap3A_265 = arith.index_cast %mul3A_104 : i32 to index
      %swap3A_266 = tpu.vector_load %arg8[%swap3A_264, %swap3A_265] {strides = array<i32>} : memref<8x4096xf32, #tpu.memory_space<vmem>>, vector<16xf32>,
      tpu.vector_store %arg8[%swap3A_264, %swap3A_265], %div3A_137 {strides = array<i32>} : memref<8x4096xf32, #tpu.memory_space<vmem>>, vector<16xf32>,
      %swap3A_267 = arith.constant 1 : i32
      %swap3A_268 = arith.index_cast %swap3A_267 : i32 to index
      %swap3A_269 = arith.index_cast %mul3A_104 : i32 to index
      %swap3A_270 = tpu.vector_load %arg8[%swap3A_268, %swap3A_269] {strides = array<i32>} : memref<8x4096xf32, #tpu.memory_space<vmem>>, vector<16xf32>,
      tpu.vector_store %arg8[%swap3A_268, %swap3A_269], %div3A_155 {strides = array<i32>} : memref<8x4096xf32, #tpu.memory_space<vmem>>, vector<16xf32>,
      %swap3A_271 = arith.constant 2 : i32
      %swap3A_272 = arith.index_cast %swap3A_271 : i32 to index
      %swap3A_273 = arith.index_cast %mul3A_104 : i32 to index
      %swap3A_274 = tpu.vector_load %arg8[%swap3A_272, %swap3A_273] {strides = array<i32>} : memref<8x4096xf32, #tpu.memory_space<vmem>>, vector<16xf32>,
      tpu.vector_store %arg8[%swap3A_272, %swap3A_273], %div3A_173 {strides = array<i32>} : memref<8x4096xf32, #tpu.memory_space<vmem>>, vector<16xf32>,
      %swap3A_275 = arith.constant 3 : i32
      %swap3A_276 = arith.index_cast %swap3A_275 : i32 to index
      %swap3A_277 = arith.index_cast %mul3A_104 : i32 to index
      %swap3A_278 = tpu.vector_load %arg8[%swap3A_276, %swap3A_277] {strides = array<i32>} : memref<8x4096xf32, #tpu.memory_space<vmem>>, vector<16xf32>,
      tpu.vector_store %arg8[%swap3A_276, %swap3A_277], %div3A_191 {strides = array<i32>} : memref<8x4096xf32, #tpu.memory_space<vmem>>, vector<16xf32>,
      %swap3A_279 = arith.constant 4 : i32
      %swap3A_280 = arith.index_cast %swap3A_279 : i32 to index
      %swap3A_281 = arith.index_cast %mul3A_104 : i32 to index
      %swap3A_282 = tpu.vector_load %arg8[%swap3A_280, %swap3A_281] {strides = array<i32>} : memref<8x4096xf32, #tpu.memory_space<vmem>>, vector<16xf32>,
      tpu.vector_store %arg8[%swap3A_280, %swap3A_281], %div3A_209 {strides = array<i32>} : memref<8x4096xf32, #tpu.memory_space<vmem>>, vector<16xf32>,
      %swap3A_283 = arith.constant 5 : i32
      %swap3A_284 = arith.index_cast %swap3A_283 : i32 to index
      %swap3A_285 = arith.index_cast %mul3A_104 : i32 to index
      %swap3A_286 = tpu.vector_load %arg8[%swap3A_284, %swap3A_285] {strides = array<i32>} : memref<8x4096xf32, #tpu.memory_space<vmem>>, vector<16xf32>,
      tpu.vector_store %arg8[%swap3A_284, %swap3A_285], %div3A_227 {strides = array<i32>} : memref<8x4096xf32, #tpu.memory_space<vmem>>, vector<16xf32>,
      %swap3A_287 = arith.constant 6 : i32
      %swap3A_288 = arith.index_cast %swap3A_287 : i32 to index
      %swap3A_289 = arith.index_cast %mul3A_104 : i32 to index
      %swap3A_290 = tpu.vector_load %arg8[%swap3A_288, %swap3A_289] {strides = array<i32>} : memref<8x4096xf32, #tpu.memory_space<vmem>>, vector<16xf32>,
      tpu.vector_store %arg8[%swap3A_288, %swap3A_289], %div3A_245 {strides = array<i32>} : memref<8x4096xf32, #tpu.memory_space<vmem>>, vector<16xf32>,
      %swap3A_291 = arith.constant 7 : i32
      %swap3A_292 = arith.index_cast %swap3A_291 : i32 to index
      %swap3A_293 = arith.index_cast %mul3A_104 : i32 to index
      %swap3A_294 = tpu.vector_load %arg8[%swap3A_292, %swap3A_293] {strides = array<i32>} : memref<8x4096xf32, #tpu.memory_space<vmem>>, vector<16xf32>,
      tpu.vector_store %arg8[%swap3A_292, %swap3A_293], %div3A_263 {strides = array<i32>} : memref<8x4096xf32, #tpu.memory_space<vmem>>, vector<16xf32>,
    }
    %scan3A_66 = arith.constant 256 : i32
    %dma_start3A_67 = arith.constant 0 : i32
    %dma_start3A_68 = tpu.memref_slice %arg4[%add3A_47, %dma_start3A_67] : memref<1024x4096xf32, #tpu.memory_space<hbm>> -> memref<8x4096xf32, #tpu.memory_space<hbm>>
    %dma_start3A_69 = arith.constant 0 : i32
    %dma_start3A_70 = tpu.memref_slice %arg4[%add3A_47, %dma_start3A_69] : memref<1024x4096xf32, #tpu.memory_space<hbm>> -> memref<8x4096xf32, #tpu.memory_space<hbm>>
    tpu.enqueue_dma source(%arg8 : memref<8x4096xf32, #tpu.memory_space<vmem>>) target(%dma_start3A_70 : memref<8x4096xf32, #tpu.memory_space<hbm>>) target_semaphore(%arg13 : memref<!tpu.dma_semaphore, #tpu.memory_space<semaphore_mem>>)
    %add3A_71 = arith.constant 24 : i32
    %add3A_72 = arith.addi %mul3A_2, %add3A_71 : i32
    %dma_wait3A_73 = arith.constant 0 : i32
    %dma_wait3A_74 = tpu.memref_slice %arg2[%add3A_53, %dma_wait3A_73] : memref<1024x1024xf32, #tpu.memory_space<hbm>> -> memref<8x1024xf32, #tpu.memory_space<hbm>>
    %dma_wait3A_75 = arith.constant 0 : i32
    %dma_wait3A_76 = tpu.memref_slice %arg2[%add3A_53, %dma_wait3A_75] : memref<1024x1024xf32, #tpu.memory_space<hbm>> -> memref<8x1024xf32, #tpu.memory_space<hbm>>
    tpu.wait_dma2 semaphore(%arg12 : memref<!tpu.dma_semaphore, #tpu.memory_space<semaphore_mem>>) src(%dma_wait3A_76 : memref<8x1024xf32, #tpu.memory_space<hbm>>) dst(%arg7 : memref<8x1024xf32, #tpu.memory_space<vmem>>)
    %dma_wait3A_77 = arith.constant 0 : i32
    %dma_wait3A_78 = tpu.memref_slice %arg4[%add3A_26, %dma_wait3A_77] : memref<1024x4096xf32, #tpu.memory_space<hbm>> -> memref<8x4096xf32, #tpu.memory_space<hbm>>
    %dma_wait3A_79 = arith.constant 0 : i32
    %dma_wait3A_80 = tpu.memref_slice %arg4[%add3A_26, %dma_wait3A_79] : memref<1024x4096xf32, #tpu.memory_space<hbm>> -> memref<8x4096xf32, #tpu.memory_space<hbm>>
    tpu.wait_dma2 semaphore(%arg14 : memref<!tpu.dma_semaphore, #tpu.memory_space<semaphore_mem>>) src(%arg9 : memref<8x4096xf32, #tpu.memory_space<vmem>>) dst(%dma_wait3A_80 : memref<8x4096xf32, #tpu.memory_space<hbm>>)
    %scan3A_81 = arith.constant 0 : i32
    %scan3A_82 = arith.constant 256 : i32
    %scan3A_83 = arith.addi %scan3A_81, %scan3A_82 : i32
    %scan3A_84 = arith.constant 1 : i32
    scf.for %scan3A_98 = %scan3A_81 to %scan3A_83 step %scan3A_84  : i32 {
      %mul3A_99 = arith.constant 1 : i32
      %mul3A_100 = arith.muli %scan3A_98, %mul3A_99 : i32
      %add3A_101 = arith.constant 0 : i32
      %add3A_102 = arith.addi %add3A_101, %mul3A_100 : i32
      %mul3A_103 = arith.constant 16 : i32
      %mul3A_104 = arith.muli %add3A_102, %mul3A_103 : i32
      %get3A = arith.constant 0 : i32
      %get3A_105 = arith.index_cast %get3A : i32 to index
      %get3A_106 = arith.index_cast %mul3A_104 : i32 to index
      %get3A_107 = tpu.vector_load %arg5[%get3A_105, %get3A_106] {strides = array<i32>} : memref<5x4096xi32, #tpu.memory_space<vmem>>, vector<16xi32>,
      %get3A_108 = arith.constant 1 : i32
      %get3A_109 = arith.index_cast %get3A_108 : i32 to index
      %get3A_110 = arith.index_cast %mul3A_104 : i32 to index
      %get3A_111 = tpu.vector_load %arg5[%get3A_109, %get3A_110] {strides = array<i32>} : memref<5x4096xi32, #tpu.memory_space<vmem>>, vector<16xi32>,
      %get3A_112 = arith.constant 2 : i32
      %get3A_113 = arith.index_cast %get3A_112 : i32 to index
      %get3A_114 = arith.index_cast %mul3A_104 : i32 to index
      %get3A_115 = tpu.vector_load %arg5[%get3A_113, %get3A_114] {strides = array<i32>} : memref<5x4096xi32, #tpu.memory_space<vmem>>, vector<16xi32>,
      %get3A_116 = arith.constant 3 : i32
      %get3A_117 = arith.index_cast %get3A_116 : i32 to index
      %get3A_118 = arith.index_cast %mul3A_104 : i32 to index
      %get3A_119 = tpu.vector_load %arg5[%get3A_117, %get3A_118] {strides = array<i32>} : memref<5x4096xi32, #tpu.memory_space<vmem>>, vector<16xi32>,
      %get3A_120 = arith.constant 4 : i32
      %get3A_121 = arith.index_cast %get3A_120 : i32 to index
      %get3A_122 = arith.index_cast %mul3A_104 : i32 to index
      %get3A_123 = tpu.vector_load %arg5[%get3A_121, %get3A_122] {strides = array<i32>} : memref<5x4096xi32, #tpu.memory_space<vmem>>, vector<16xi32>,
      %broadcast_in_dim3A = arith.constant 0 : i32
      %broadcast_in_dim3A_124 = vector.broadcast %broadcast_in_dim3A : i32 to vector<16xi32>
      %gather3A = tpu.vector_load_idx %arg7[%broadcast_in_dim3A_124, %get3A_107] : memref<8x1024xf32, #tpu.memory_space<vmem>>[vector<16xi32>, vector<16xi32>], vector<16xf32>,
      %gather3A_125 = tpu.vector_load_idx %arg7[%broadcast_in_dim3A_124, %get3A_111] : memref<8x1024xf32, #tpu.memory_space<vmem>>[vector<16xi32>, vector<16xi32>], vector<16xf32>,
      %gather3A_126 = tpu.vector_load_idx %arg7[%broadcast_in_dim3A_124, %get3A_115] : memref<8x1024xf32, #tpu.memory_space<vmem>>[vector<16xi32>, vector<16xi32>], vector<16xf32>,
      %gather3A_127 = tpu.vector_load_idx %arg7[%broadcast_in_dim3A_124, %get3A_119] : memref<8x1024xf32, #tpu.memory_space<vmem>>[vector<16xi32>, vector<16xi32>], vector<16xf32>,
      %gather3A_128 = tpu.vector_load_idx %arg7[%broadcast_in_dim3A_124, %get3A_123] : memref<8x1024xf32, #tpu.memory_space<vmem>>[vector<16xi32>, vector<16xi32>], vector<16xf32>,
      %add3A_129 = arith.addf %gather3A, %gather3A_125 : vector<16xf32>
      %add3A_130 = arith.addf %gather3A_126, %gather3A_127 : vector<16xf32>
      %add3A_131 = arith.addf %add3A_129, %add3A_130 : vector<16xf32>
      %add3A_132 = arith.addf %add3A_131, %gather3A_128 : vector<16xf32>
      %exp3A = math.exp %add3A_132 : vector<16xf32>
      %add3A_133 = arith.constant 1.000000e+00 : f32
      %add3A_134 = vector.broadcast %add3A_133 : f32 to vector<16xf32>
      %add3A_135 = arith.addf %add3A_134, %exp3A : vector<16xf32>
      %div3A = arith.constant 1.000000e+00 : f32
      %div3A_136 = vector.broadcast %div3A : f32 to vector<16xf32>
      %div3A_137 = arith.divf %div3A_136, %add3A_135 : vector<16xf32>
      %broadcast_in_dim3A_138 = arith.constant 1 : i32
      %broadcast_in_dim3A_139 = vector.broadcast %broadcast_in_dim3A_138 : i32 to vector<16xi32>
      %gather3A_140 = tpu.vector_load_idx %arg7[%broadcast_in_dim3A_139, %get3A_107] : memref<8x1024xf32, #tpu.memory_space<vmem>>[vector<16xi32>, vector<16xi32>], vector<16xf32>,
      %gather3A_141 = tpu.vector_load_idx %arg7[%broadcast_in_dim3A_139, %get3A_111] : memref<8x1024xf32, #tpu.memory_space<vmem>>[vector<16xi32>, vector<16xi32>], vector<16xf32>,
      %gather3A_142 = tpu.vector_load_idx %arg7[%broadcast_in_dim3A_139, %get3A_115] : memref<8x1024xf32, #tpu.memory_space<vmem>>[vector<16xi32>, vector<16xi32>], vector<16xf32>,
      %gather3A_143 = tpu.vector_load_idx %arg7[%broadcast_in_dim3A_139, %get3A_119] : memref<8x1024xf32, #tpu.memory_space<vmem>>[vector<16xi32>, vector<16xi32>], vector<16xf32>,
      %gather3A_144 = tpu.vector_load_idx %arg7[%broadcast_in_dim3A_139, %get3A_123] : memref<8x1024xf32, #tpu.memory_space<vmem>>[vector<16xi32>, vector<16xi32>], vector<16xf32>,
      %add3A_145 = arith.addf %gather3A_140, %gather3A_141 : vector<16xf32>
      %add3A_146 = arith.addf %gather3A_142, %gather3A_143 : vector<16xf32>
      %add3A_147 = arith.addf %add3A_145, %add3A_146 : vector<16xf32>
      %add3A_148 = arith.addf %add3A_147, %gather3A_144 : vector<16xf32>
      %exp3A_149 = math.exp %add3A_148 : vector<16xf32>
      %add3A_150 = arith.constant 1.000000e+00 : f32
      %add3A_151 = vector.broadcast %add3A_150 : f32 to vector<16xf32>
      %add3A_152 = arith.addf %add3A_151, %exp3A_149 : vector<16xf32>
      %div3A_153 = arith.constant 1.000000e+00 : f32
      %div3A_154 = vector.broadcast %div3A_153 : f32 to vector<16xf32>
      %div3A_155 = arith.divf %div3A_154, %add3A_152 : vector<16xf32>
      %broadcast_in_dim3A_156 = arith.constant 2 : i32
      %broadcast_in_dim3A_157 = vector.broadcast %broadcast_in_dim3A_156 : i32 to vector<16xi32>
      %gather3A_158 = tpu.vector_load_idx %arg7[%broadcast_in_dim3A_157, %get3A_107] : memref<8x1024xf32, #tpu.memory_space<vmem>>[vector<16xi32>, vector<16xi32>], vector<16xf32>,
      %gather3A_159 = tpu.vector_load_idx %arg7[%broadcast_in_dim3A_157, %get3A_111] : memref<8x1024xf32, #tpu.memory_space<vmem>>[vector<16xi32>, vector<16xi32>], vector<16xf32>,
      %gather3A_160 = tpu.vector_load_idx %arg7[%broadcast_in_dim3A_157, %get3A_115] : memref<8x1024xf32, #tpu.memory_space<vmem>>[vector<16xi32>, vector<16xi32>], vector<16xf32>,
      %gather3A_161 = tpu.vector_load_idx %arg7[%broadcast_in_dim3A_157, %get3A_119] : memref<8x1024xf32, #tpu.memory_space<vmem>>[vector<16xi32>, vector<16xi32>], vector<16xf32>,
      %gather3A_162 = tpu.vector_load_idx %arg7[%broadcast_in_dim3A_157, %get3A_123] : memref<8x1024xf32, #tpu.memory_space<vmem>>[vector<16xi32>, vector<16xi32>], vector<16xf32>,
      %add3A_163 = arith.addf %gather3A_158, %gather3A_159 : vector<16xf32>
      %add3A_164 = arith.addf %gather3A_160, %gather3A_161 : vector<16xf32>
      %add3A_165 = arith.addf %add3A_163, %add3A_164 : vector<16xf32>
      %add3A_166 = arith.addf %add3A_165, %gather3A_162 : vector<16xf32>
      %exp3A_167 = math.exp %add3A_166 : vector<16xf32>
      %add3A_168 = arith.constant 1.000000e+00 : f32
      %add3A_169 = vector.broadcast %add3A_168 : f32 to vector<16xf32>
      %add3A_170 = arith.addf %add3A_169, %exp3A_167 : vector<16xf32>
      %div3A_171 = arith.constant 1.000000e+00 : f32
      %div3A_172 = vector.broadcast %div3A_171 : f32 to vector<16xf32>
      %div3A_173 = arith.divf %div3A_172, %add3A_170 : vector<16xf32>
      %broadcast_in_dim3A_174 = arith.constant 3 : i32
      %broadcast_in_dim3A_175 = vector.broadcast %broadcast_in_dim3A_174 : i32 to vector<16xi32>
      %gather3A_176 = tpu.vector_load_idx %arg7[%broadcast_in_dim3A_175, %get3A_107] : memref<8x1024xf32, #tpu.memory_space<vmem>>[vector<16xi32>, vector<16xi32>], vector<16xf32>,
      %gather3A_177 = tpu.vector_load_idx %arg7[%broadcast_in_dim3A_175, %get3A_111] : memref<8x1024xf32, #tpu.memory_space<vmem>>[vector<16xi32>, vector<16xi32>], vector<16xf32>,
      %gather3A_178 = tpu.vector_load_idx %arg7[%broadcast_in_dim3A_175, %get3A_115] : memref<8x1024xf32, #tpu.memory_space<vmem>>[vector<16xi32>, vector<16xi32>], vector<16xf32>,
      %gather3A_179 = tpu.vector_load_idx %arg7[%broadcast_in_dim3A_175, %get3A_119] : memref<8x1024xf32, #tpu.memory_space<vmem>>[vector<16xi32>, vector<16xi32>], vector<16xf32>,
      %gather3A_180 = tpu.vector_load_idx %arg7[%broadcast_in_dim3A_175, %get3A_123] : memref<8x1024xf32, #tpu.memory_space<vmem>>[vector<16xi32>, vector<16xi32>], vector<16xf32>,
      %add3A_181 = arith.addf %gather3A_176, %gather3A_177 : vector<16xf32>
      %add3A_182 = arith.addf %gather3A_178, %gather3A_179 : vector<16xf32>
      %add3A_183 = arith.addf %add3A_181, %add3A_182 : vector<16xf32>
      %add3A_184 = arith.addf %add3A_183, %gather3A_180 : vector<16xf32>
      %exp3A_185 = math.exp %add3A_184 : vector<16xf32>
      %add3A_186 = arith.constant 1.000000e+00 : f32
      %add3A_187 = vector.broadcast %add3A_186 : f32 to vector<16xf32>
      %add3A_188 = arith.addf %add3A_187, %exp3A_185 : vector<16xf32>
      %div3A_189 = arith.constant 1.000000e+00 : f32
      %div3A_190 = vector.broadcast %div3A_189 : f32 to vector<16xf32>
      %div3A_191 = arith.divf %div3A_190, %add3A_188 : vector<16xf32>
      %broadcast_in_dim3A_192 = arith.constant 4 : i32
      %broadcast_in_dim3A_193 = vector.broadcast %broadcast_in_dim3A_192 : i32 to vector<16xi32>
      %gather3A_194 = tpu.vector_load_idx %arg7[%broadcast_in_dim3A_193, %get3A_107] : memref<8x1024xf32, #tpu.memory_space<vmem>>[vector<16xi32>, vector<16xi32>], vector<16xf32>,
      %gather3A_195 = tpu.vector_load_idx %arg7[%broadcast_in_dim3A_193, %get3A_111] : memref<8x1024xf32, #tpu.memory_space<vmem>>[vector<16xi32>, vector<16xi32>], vector<16xf32>,
      %gather3A_196 = tpu.vector_load_idx %arg7[%broadcast_in_dim3A_193, %get3A_115] : memref<8x1024xf32, #tpu.memory_space<vmem>>[vector<16xi32>, vector<16xi32>], vector<16xf32>,
      %gather3A_197 = tpu.vector_load_idx %arg7[%broadcast_in_dim3A_193, %get3A_119] : memref<8x1024xf32, #tpu.memory_space<vmem>>[vector<16xi32>, vector<16xi32>], vector<16xf32>,
      %gather3A_198 = tpu.vector_load_idx %arg7[%broadcast_in_dim3A_193, %get3A_123] : memref<8x1024xf32, #tpu.memory_space<vmem>>[vector<16xi32>, vector<16xi32>], vector<16xf32>,
      %add3A_199 = arith.addf %gather3A_194, %gather3A_195 : vector<16xf32>
      %add3A_200 = arith.addf %gather3A_196, %gather3A_197 : vector<16xf32>
      %add3A_201 = arith.addf %add3A_199, %add3A_200 : vector<16xf32>
      %add3A_202 = arith.addf %add3A_201, %gather3A_198 : vector<16xf32>
      %exp3A_203 = math.exp %add3A_202 : vector<16xf32>
      %add3A_204 = arith.constant 1.000000e+00 : f32
      %add3A_205 = vector.broadcast %add3A_204 : f32 to vector<16xf32>
      %add3A_206 = arith.addf %add3A_205, %exp3A_203 : vector<16xf32>
      %div3A_207 = arith.constant 1.000000e+00 : f32
      %div3A_208 = vector.broadcast %div3A_207 : f32 to vector<16xf32>
      %div3A_209 = arith.divf %div3A_208, %add3A_206 : vector<16xf32>
      %broadcast_in_dim3A_210 = arith.constant 5 : i32
      %broadcast_in_dim3A_211 = vector.broadcast %broadcast_in_dim3A_210 : i32 to vector<16xi32>
      %gather3A_212 = tpu.vector_load_idx %arg7[%broadcast_in_dim3A_211, %get3A_107] : memref<8x1024xf32, #tpu.memory_space<vmem>>[vector<16xi32>, vector<16xi32>], vector<16xf32>,
      %gather3A_213 = tpu.vector_load_idx %arg7[%broadcast_in_dim3A_211, %get3A_111] : memref<8x1024xf32, #tpu.memory_space<vmem>>[vector<16xi32>, vector<16xi32>], vector<16xf32>,
      %gather3A_214 = tpu.vector_load_idx %arg7[%broadcast_in_dim3A_211, %get3A_115] : memref<8x1024xf32, #tpu.memory_space<vmem>>[vector<16xi32>, vector<16xi32>], vector<16xf32>,
      %gather3A_215 = tpu.vector_load_idx %arg7[%broadcast_in_dim3A_211, %get3A_119] : memref<8x1024xf32, #tpu.memory_space<vmem>>[vector<16xi32>, vector<16xi32>], vector<16xf32>,
      %gather3A_216 = tpu.vector_load_idx %arg7[%broadcast_in_dim3A_211, %get3A_123] : memref<8x1024xf32, #tpu.memory_space<vmem>>[vector<16xi32>, vector<16xi32>], vector<16xf32>,
      %add3A_217 = arith.addf %gather3A_212, %gather3A_213 : vector<16xf32>
      %add3A_218 = arith.addf %gather3A_214, %gather3A_215 : vector<16xf32>
      %add3A_219 = arith.addf %add3A_217, %add3A_218 : vector<16xf32>
      %add3A_220 = arith.addf %add3A_219, %gather3A_216 : vector<16xf32>
      %exp3A_221 = math.exp %add3A_220 : vector<16xf32>
      %add3A_222 = arith.constant 1.000000e+00 : f32
      %add3A_223 = vector.broadcast %add3A_222 : f32 to vector<16xf32>
      %add3A_224 = arith.addf %add3A_223, %exp3A_221 : vector<16xf32>
      %div3A_225 = arith.constant 1.000000e+00 : f32
      %div3A_226 = vector.broadcast %div3A_225 : f32 to vector<16xf32>
      %div3A_227 = arith.divf %div3A_226, %add3A_224 : vector<16xf32>
      %broadcast_in_dim3A_228 = arith.constant 6 : i32
      %broadcast_in_dim3A_229 = vector.broadcast %broadcast_in_dim3A_228 : i32 to vector<16xi32>
      %gather3A_230 = tpu.vector_load_idx %arg7[%broadcast_in_dim3A_229, %get3A_107] : memref<8x1024xf32, #tpu.memory_space<vmem>>[vector<16xi32>, vector<16xi32>], vector<16xf32>,
      %gather3A_231 = tpu.vector_load_idx %arg7[%broadcast_in_dim3A_229, %get3A_111] : memref<8x1024xf32, #tpu.memory_space<vmem>>[vector<16xi32>, vector<16xi32>], vector<16xf32>,
      %gather3A_232 = tpu.vector_load_idx %arg7[%broadcast_in_dim3A_229, %get3A_115] : memref<8x1024xf32, #tpu.memory_space<vmem>>[vector<16xi32>, vector<16xi32>], vector<16xf32>,
      %gather3A_233 = tpu.vector_load_idx %arg7[%broadcast_in_dim3A_229, %get3A_119] : memref<8x1024xf32, #tpu.memory_space<vmem>>[vector<16xi32>, vector<16xi32>], vector<16xf32>,
      %gather3A_234 = tpu.vector_load_idx %arg7[%broadcast_in_dim3A_229, %get3A_123] : memref<8x1024xf32, #tpu.memory_space<vmem>>[vector<16xi32>, vector<16xi32>], vector<16xf32>,
      %add3A_235 = arith.addf %gather3A_230, %gather3A_231 : vector<16xf32>
      %add3A_236 = arith.addf %gather3A_232, %gather3A_233 : vector<16xf32>
      %add3A_237 = arith.addf %add3A_235, %add3A_236 : vector<16xf32>
      %add3A_238 = arith.addf %add3A_237, %gather3A_234 : vector<16xf32>
      %exp3A_239 = math.exp %add3A_238 : vector<16xf32>
      %add3A_240 = arith.constant 1.000000e+00 : f32
      %add3A_241 = vector.broadcast %add3A_240 : f32 to vector<16xf32>
      %add3A_242 = arith.addf %add3A_241, %exp3A_239 : vector<16xf32>
      %div3A_243 = arith.constant 1.000000e+00 : f32
      %div3A_244 = vector.broadcast %div3A_243 : f32 to vector<16xf32>
      %div3A_245 = arith.divf %div3A_244, %add3A_242 : vector<16xf32>
      %broadcast_in_dim3A_246 = arith.constant 7 : i32
      %broadcast_in_dim3A_247 = vector.broadcast %broadcast_in_dim3A_246 : i32 to vector<16xi32>
      %gather3A_248 = tpu.vector_load_idx %arg7[%broadcast_in_dim3A_247, %get3A_107] : memref<8x1024xf32, #tpu.memory_space<vmem>>[vector<16xi32>, vector<16xi32>], vector<16xf32>,
      %gather3A_249 = tpu.vector_load_idx %arg7[%broadcast_in_dim3A_247, %get3A_111] : memref<8x1024xf32, #tpu.memory_space<vmem>>[vector<16xi32>, vector<16xi32>], vector<16xf32>,
      %gather3A_250 = tpu.vector_load_idx %arg7[%broadcast_in_dim3A_247, %get3A_115] : memref<8x1024xf32, #tpu.memory_space<vmem>>[vector<16xi32>, vector<16xi32>], vector<16xf32>,
      %gather3A_251 = tpu.vector_load_idx %arg7[%broadcast_in_dim3A_247, %get3A_119] : memref<8x1024xf32, #tpu.memory_space<vmem>>[vector<16xi32>, vector<16xi32>], vector<16xf32>,
      %gather3A_252 = tpu.vector_load_idx %arg7[%broadcast_in_dim3A_247, %get3A_123] : memref<8x1024xf32, #tpu.memory_space<vmem>>[vector<16xi32>, vector<16xi32>], vector<16xf32>,
      %add3A_253 = arith.addf %gather3A_248, %gather3A_249 : vector<16xf32>
      %add3A_254 = arith.addf %gather3A_250, %gather3A_251 : vector<16xf32>
      %add3A_255 = arith.addf %add3A_253, %add3A_254 : vector<16xf32>
      %add3A_256 = arith.addf %add3A_255, %gather3A_252 : vector<16xf32>
      %exp3A_257 = math.exp %add3A_256 : vector<16xf32>
      %add3A_258 = arith.constant 1.000000e+00 : f32
      %add3A_259 = vector.broadcast %add3A_258 : f32 to vector<16xf32>
      %add3A_260 = arith.addf %add3A_259, %exp3A_257 : vector<16xf32>
      %div3A_261 = arith.constant 1.000000e+00 : f32
      %div3A_262 = vector.broadcast %div3A_261 : f32 to vector<16xf32>
      %div3A_263 = arith.divf %div3A_262, %add3A_260 : vector<16xf32>
      %swap3A = arith.constant 0 : i32
      %swap3A_264 = arith.index_cast %swap3A : i32 to index
      %swap3A_265 = arith.index_cast %mul3A_104 : i32 to index
      %swap3A_266 = tpu.vector_load %arg9[%swap3A_264, %swap3A_265] {strides = array<i32>} : memref<8x4096xf32, #tpu.memory_space<vmem>>, vector<16xf32>,
      tpu.vector_store %arg9[%swap3A_264, %swap3A_265], %div3A_137 {strides = array<i32>} : memref<8x4096xf32, #tpu.memory_space<vmem>>, vector<16xf32>,
      %swap3A_267 = arith.constant 1 : i32
      %swap3A_268 = arith.index_cast %swap3A_267 : i32 to index
      %swap3A_269 = arith.index_cast %mul3A_104 : i32 to index
      %swap3A_270 = tpu.vector_load %arg9[%swap3A_268, %swap3A_269] {strides = array<i32>} : memref<8x4096xf32, #tpu.memory_space<vmem>>, vector<16xf32>,
      tpu.vector_store %arg9[%swap3A_268, %swap3A_269], %div3A_155 {strides = array<i32>} : memref<8x4096xf32, #tpu.memory_space<vmem>>, vector<16xf32>,
      %swap3A_271 = arith.constant 2 : i32
      %swap3A_272 = arith.index_cast %swap3A_271 : i32 to index
      %swap3A_273 = arith.index_cast %mul3A_104 : i32 to index
      %swap3A_274 = tpu.vector_load %arg9[%swap3A_272, %swap3A_273] {strides = array<i32>} : memref<8x4096xf32, #tpu.memory_space<vmem>>, vector<16xf32>,
      tpu.vector_store %arg9[%swap3A_272, %swap3A_273], %div3A_173 {strides = array<i32>} : memref<8x4096xf32, #tpu.memory_space<vmem>>, vector<16xf32>,
      %swap3A_275 = arith.constant 3 : i32
      %swap3A_276 = arith.index_cast %swap3A_275 : i32 to index
      %swap3A_277 = arith.index_cast %mul3A_104 : i32 to index
      %swap3A_278 = tpu.vector_load %arg9[%swap3A_276, %swap3A_277] {strides = array<i32>} : memref<8x4096xf32, #tpu.memory_space<vmem>>, vector<16xf32>,
      tpu.vector_store %arg9[%swap3A_276, %swap3A_277], %div3A_191 {strides = array<i32>} : memref<8x4096xf32, #tpu.memory_space<vmem>>, vector<16xf32>,
      %swap3A_279 = arith.constant 4 : i32
      %swap3A_280 = arith.index_cast %swap3A_279 : i32 to index
      %swap3A_281 = arith.index_cast %mul3A_104 : i32 to index
      %swap3A_282 = tpu.vector_load %arg9[%swap3A_280, %swap3A_281] {strides = array<i32>} : memref<8x4096xf32, #tpu.memory_space<vmem>>, vector<16xf32>,
      tpu.vector_store %arg9[%swap3A_280, %swap3A_281], %div3A_209 {strides = array<i32>} : memref<8x4096xf32, #tpu.memory_space<vmem>>, vector<16xf32>,
      %swap3A_283 = arith.constant 5 : i32
      %swap3A_284 = arith.index_cast %swap3A_283 : i32 to index
      %swap3A_285 = arith.index_cast %mul3A_104 : i32 to index
      %swap3A_286 = tpu.vector_load %arg9[%swap3A_284, %swap3A_285] {strides = array<i32>} : memref<8x4096xf32, #tpu.memory_space<vmem>>, vector<16xf32>,
      tpu.vector_store %arg9[%swap3A_284, %swap3A_285], %div3A_227 {strides = array<i32>} : memref<8x4096xf32, #tpu.memory_space<vmem>>, vector<16xf32>,
      %swap3A_287 = arith.constant 6 : i32
      %swap3A_288 = arith.index_cast %swap3A_287 : i32 to index
      %swap3A_289 = arith.index_cast %mul3A_104 : i32 to index
      %swap3A_290 = tpu.vector_load %arg9[%swap3A_288, %swap3A_289] {strides = array<i32>} : memref<8x4096xf32, #tpu.memory_space<vmem>>, vector<16xf32>,
      tpu.vector_store %arg9[%swap3A_288, %swap3A_289], %div3A_245 {strides = array<i32>} : memref<8x4096xf32, #tpu.memory_space<vmem>>, vector<16xf32>,
      %swap3A_291 = arith.constant 7 : i32
      %swap3A_292 = arith.index_cast %swap3A_291 : i32 to index
      %swap3A_293 = arith.index_cast %mul3A_104 : i32 to index
      %swap3A_294 = tpu.vector_load %arg9[%swap3A_292, %swap3A_293] {strides = array<i32>} : memref<8x4096xf32, #tpu.memory_space<vmem>>, vector<16xf32>,
      tpu.vector_store %arg9[%swap3A_292, %swap3A_293], %div3A_263 {strides = array<i32>} : memref<8x4096xf32, #tpu.memory_space<vmem>>, vector<16xf32>,
    }
    %scan3A_85 = arith.constant 256 : i32
    %dma_start3A_86 = arith.constant 0 : i32
    %dma_start3A_87 = tpu.memref_slice %arg4[%add3A_72, %dma_start3A_86] : memref<1024x4096xf32, #tpu.memory_space<hbm>> -> memref<8x4096xf32, #tpu.memory_space<hbm>>
    %dma_start3A_88 = arith.constant 0 : i32
    %dma_start3A_89 = tpu.memref_slice %arg4[%add3A_72, %dma_start3A_88] : memref<1024x4096xf32, #tpu.memory_space<hbm>> -> memref<8x4096xf32, #tpu.memory_space<hbm>>
    tpu.enqueue_dma source(%arg9 : memref<8x4096xf32, #tpu.memory_space<vmem>>) target(%dma_start3A_89 : memref<8x4096xf32, #tpu.memory_space<hbm>>) target_semaphore(%arg14 : memref<!tpu.dma_semaphore, #tpu.memory_space<semaphore_mem>>)
    %dma_wait3A_90 = arith.constant 0 : i32
    %dma_wait3A_91 = tpu.memref_slice %arg4[%add3A_47, %dma_wait3A_90] : memref<1024x4096xf32, #tpu.memory_space<hbm>> -> memref<8x4096xf32, #tpu.memory_space<hbm>>
    %dma_wait3A_92 = arith.constant 0 : i32
    %dma_wait3A_93 = tpu.memref_slice %arg4[%add3A_47, %dma_wait3A_92] : memref<1024x4096xf32, #tpu.memory_space<hbm>> -> memref<8x4096xf32, #tpu.memory_space<hbm>>
    tpu.wait_dma2 semaphore(%arg13 : memref<!tpu.dma_semaphore, #tpu.memory_space<semaphore_mem>>) src(%arg8 : memref<8x4096xf32, #tpu.memory_space<vmem>>) dst(%dma_wait3A_93 : memref<8x4096xf32, #tpu.memory_space<hbm>>)
    %dma_wait3A_94 = arith.constant 0 : i32
    %dma_wait3A_95 = tpu.memref_slice %arg4[%add3A_72, %dma_wait3A_94] : memref<1024x4096xf32, #tpu.memory_space<hbm>> -> memref<8x4096xf32, #tpu.memory_space<hbm>>
    %dma_wait3A_96 = arith.constant 0 : i32
    %dma_wait3A_97 = tpu.memref_slice %arg4[%add3A_72, %dma_wait3A_96] : memref<1024x4096xf32, #tpu.memory_space<hbm>> -> memref<8x4096xf32, #tpu.memory_space<hbm>>
    tpu.wait_dma2 semaphore(%arg14 : memref<!tpu.dma_semaphore, #tpu.memory_space<semaphore_mem>>) src(%arg9 : memref<8x4096xf32, #tpu.memory_space<vmem>>) dst(%dma_wait3A_97 : memref<8x4096xf32, #tpu.memory_space<hbm>>)
    return
  }
}

module attributes {stable_mosaic.version = 14 : i64} {
  func.func @_stage1_body(%arg0: i32, %arg1: memref<256x1000xf32, #tpu.memory_space<vmem>>, %arg2: memref<256x1000xf32, #tpu.memory_space<vmem>>, %arg3: memref<256x1xf32, #tpu.memory_space<vmem>>, %arg4: memref<256x1024xf32, #tpu.memory_space<vmem>>) attributes {dimension_semantics = [#tpu.dimension_semantics<arbitrary>], iteration_bounds = array<i64: 4>, scalar_prefetch = 0 : i64, scratch_operands = 0 : i64, tpu.core_type = #tpu.core_type<tc>, window_params = [{transform_indices = @transform_0, window_bounds = array<i64: 256, 1000>}, {transform_indices = @transform_1, window_bounds = array<i64: 256, 1000>}, {transform_indices = @transform_2, window_bounds = array<i64: 256, 1>}, {transform_indices = @transform_3, window_bounds = array<i64: 256, 1024>}]} {
    %get3A = arith.constant 0 : index
    %get3A_0 = arith.constant 0 : index
    %get3A_1 = vector.load %arg3[%get3A, %get3A_0] : memref<256x1xf32, #tpu.memory_space<vmem>>, vector<256x1xf32>
    %add3A = arith.constant 9.99999996E-13 : f32
    %add3A_2 = vector.broadcast %add3A : f32 to vector<256x1xf32>
    %add3A_3 = arith.addf %get3A_1, %add3A_2 : vector<256x1xf32>
    %log3A = math.log %add3A_3 : vector<256x1xf32>
    %get3A_4 = arith.constant 0 : index
    %get3A_5 = arith.constant 0 : index
    %get3A_6 = vector.load %arg2[%get3A_4, %get3A_5] : memref<256x1000xf32, #tpu.memory_space<vmem>>, vector<256x1000xf32>
    %sub3A = vector.broadcast %log3A : vector<256x1xf32> to vector<256x1000xf32>
    %sub3A_7 = arith.subf %sub3A, %get3A_6 : vector<256x1000xf32>
    %max3A = arith.constant 0.000000e+00 : f32
    %max3A_8 = vector.broadcast %max3A : f32 to vector<256x1000xf32>
    %max3A_9 = arith.maximumf %sub3A_7, %max3A_8 : vector<256x1000xf32>
    %abs3A = math.absf %sub3A_7 : vector<256x1000xf32>
    %neg3A = arith.constant 0.000000e+00 : f32
    %neg3A_10 = vector.broadcast %neg3A : f32 to vector<256x1000xf32>
    %neg3A_11 = arith.subf %neg3A_10, %abs3A : vector<256x1000xf32>
    %exp3A = math.exp %neg3A_11 : vector<256x1000xf32>
    %log1p3A = math.log1p %exp3A : vector<256x1000xf32>
    %add3A_12 = arith.addf %max3A_9, %log1p3A : vector<256x1000xf32>
    %get3A_13 = arith.constant 0 : index
    %get3A_14 = arith.constant 0 : index
    %get3A_15 = vector.load %arg1[%get3A_13, %get3A_14] : memref<256x1000xf32, #tpu.memory_space<vmem>>, vector<256x1000xf32>
    %sub3A_16 = vector.broadcast %log3A : vector<256x1xf32> to vector<256x1000xf32>
    %sub3A_17 = arith.subf %get3A_15, %sub3A_16 : vector<256x1000xf32>
    %add3A_18 = arith.addf %sub3A_17, %add3A_12 : vector<256x1000xf32>
    %swap3A = arith.constant 0 : index
    %swap3A_19 = arith.constant 0 : index
    %swap3A_20 = vector.load %arg4[%swap3A, %swap3A_19] : memref<256x1024xf32, #tpu.memory_space<vmem>>, vector<256x1000xf32>
    tpu.vector_store %arg4[%swap3A, %swap3A_19], %add3A_18 {strides = array<i32>} : memref<256x1024xf32, #tpu.memory_space<vmem>>, vector<256x1000xf32>,
    return
  }
  func.func @transform_0(%arg0: i32) -> (i32, i32) {
    %c0_i32 = arith.constant 0 : i32
    %c0_i32_0 = arith.constant 0 : i32
    return %arg0, %c0_i32 : i32, i32
  }
  func.func @transform_1(%arg0: i32) -> (i32, i32) {
    %c0_i32 = arith.constant 0 : i32
    %c0_i32_0 = arith.constant 0 : i32
    return %arg0, %c0_i32 : i32, i32
  }
  func.func @transform_2(%arg0: i32) -> (i32, i32) {
    %c0_i32 = arith.constant 0 : i32
    %c0_i32_0 = arith.constant 0 : i32
    return %arg0, %c0_i32 : i32, i32
  }
  func.func @transform_3(%arg0: i32) -> (i32, i32) {
    %c0_i32 = arith.constant 0 : i32
    %c0_i32_0 = arith.constant 0 : i32
    return %arg0, %c0_i32 : i32, i32
  }
}

</mosaic_0001>

<sc_bundles>
// kernel: kernel.4.cloned.1.call-start
scs
__scs_entry_jumppad:
0x0: {  	(pc) =	sbr.rel $0x88, $3  }
0x1: {  	(tag) =	ssettag $0x0;
	lr =	simm.s32 $0x1  }
0x2: {  	[smem:$0x3F9E] =	sst lr;
	_ =	strace $0xD0000000  }
0x3: {  	_ = 	snop  }
0x4: {  	_ = 	snop  }
0x5: {  	_ = 	snop  }
0x6: {  	_ = 	snop  }
0x7: {  	_ = 	snop  }
__scs_overlays_trampoline_lowered:
0x8: {  	[smem:$0x3FAD] =	sst s0  }
0x9: {  	[smem:$0x3FAE] =	sst s1  }
0xa: {  	[smem:$0x3FAF] =	sst s2  }
0xb: {  	[smem:$0x3FB0] =	sst s3  }
0xc: {  	[smem:$0x3FB1] =	sst s4  }
0xd: {  	[smem:$0x3FB2] =	sst s5  }
0xe: {  	[smem:$0x3FB3] =	sst s6  }
0xf: {  	[smem:$0x3FB4] =	sst s7  }
0x10: {  	[smem:$0x3FB5] =	sst s8  }
0x11: {  	[smem:$0x3FB6] =	sst s9;
	s0 =	simm.s32 @!p0 $0x0  }
0x12: {  	s1 =	sld [smem:$0x3F9C];
	s0 =	simm.s32 @p0 $0x1  }
0x13: {  	[smem:$0x3FB7] =	sst s0;
	s0 =	simm.s32 @!p1 $0x0  }
0x14: {  	s2 =	sld [smem:$0x3F9B];
	s0 =	simm.s32 @p1 $0x1  }
0x15: {  	[smem:$0x3FB8] =	sst s0;
	s0 =	simm.s32 @!p2 $0x0  }
0x16: {  	s3 =	sld [smem:$0x3FDB];
	s0 =	simm.s32 @p2 $0x1  }
0x17: {  	s4 =	simm.s32 $0x1BF5;
	[smem:$0x3FBA] =	sst s0  }
0x18: {  	s0 =	sld [smem:$0x3F9D];
	_ =	swait.ge [sflag:s4], $0x0  }
0x19: {  	s7 =	sld [smem:$0x3F9E]  }
0x1a: {  	s8 =	sadd.s32 $0xFFFFE003, lr  }
0x1b: {  	s9 =	sadd.s32 $0xFFFFFEF7, lr;
	s5 =	simm.s32 $0xFFFFFFFF;
	p2 =	slt.u32 s8, $0xFFFFF086  }
0x1c: {  	p1 =	slt.u32 s9, $0xF7A;
	s5 =	simm.s32 @!p2 $0x0  }
0x1d: {  	s5 =	simm.s32 @p1 $0x1;
	p0 =	seq.s32 s7, s2  }
0x1e: {  	s7 =	smul.u32 @!p0 $0xF7A, s2;
	p2 =	seq.s32 @!p0 s5, $0x0  }
0x1f: {  	s9 =	smul.u32 $0xF7A, s1;
	s8 =	simm.s32 @!p0 $0x1BF5;
	p2 =	por !p2, p0  }
0x20: {  	[sflag:s8] =	ssyncset.s32 @!p0 $0xFFFFF086;
	s6 =	sadd.s32 @!p0 s3, s7;
	s7 =	simm.s32 @!p0 $0x108  }
0x21: {  	s3 =	sadd.s32 s3, s9;
	s6 =	sadd.s32 @!p0 $0x88, s6;
	s7 =	simm.s32 @p2 $0x1082  }
0x22: {  	[simem:s7], [sflag:s8] =	dma.local @!p0 [hbm:s6], $0xF7A  }
0x23: {  	s9 =	sor.u32 $0xD0000000, s2;
	s6 =	simm.s32 $0x108;
	_ =	swait.ge @!p0 [sflag:s8], $0x0  }
0x24: {  	s3 =	sadd.s32 $0x88, s3;
	s6 =	simm.s32 @!p1 $0x1082;
	[sflag:s4] =	ssyncset.s32 $0xFFFFF086  }
0x25: {  	[simem:s6], [sflag:s4] =	dma.local [hbm:s3], $0xF7A  }
0x26: {  	[smem:$0x3F9E] =	sst s1;
	(tag) =	ssettag s2;
	_ =	strace s9  }
0x27: {  	s1 =	sld [smem:$0x3FAE]  }
0x28: {  	s2 =	sld [smem:$0x3FAF]  }
0x29: {  	s4 =	sld [smem:$0x3FB1]  }
0x2a: {  	p0 =	seq.s32 s5, $0x0;
	s5 =	sld [smem:$0x3FB2]  }
0x2b: {  	s6 =	sld [smem:$0x3FB3]  }
0x2c: {  	s7 =	sld [smem:$0x3FB4]  }
0x2d: {  	s3 =	simm.s32 $0x108;
	s8 =	sld [smem:$0x3FB5]  }
0x2e: {  	s3 =	simm.s32 @!p0 $0x1082;
	s9 =	sld [smem:$0x3FB6]  }
0x2f: {  	lr =	sadd.s32 s0, s3;
	s0 =	sld [smem:$0x3FAD]  }
0x30: {  	s3 =	sld [smem:$0x3FB0]  }
0x31: {  	[smem:$0x3FB9] =	sst s10  }
0x32: {  	s10 =	sld [smem:$0x3FB7];
	_ =	sdelay $0x3  }
0x33: {  	p0 =	seq.s32 s10, $0x1;
	s10 =	sld [smem:$0x3FB9];
	_ =	sdelay $0x3  }
0x34: {  	[smem:$0x3FB9] =	sst s10  }
0x35: {  	s10 =	sld [smem:$0x3FB8];
	_ =	sdelay $0x3  }
0x36: {  	p1 =	seq.s32 s10, $0x1;
	s10 =	sld [smem:$0x3FB9];
	_ =	sdelay $0x3  }
0x37: {  	[smem:$0x3FB9] =	sst s10  }
0x38: {  	s10 =	sld [smem:$0x3FBA]  }
0x39: {  	_ = 	snop;
	(pc) =	sbr.ind lr, $3  }
0x3a: {  	_ = 	snop  }
0x3b: {  	_ = 	snop  }
0x3c: {  	p2 =	seq.s32 s10, $0x1;
	s10 =	sld [smem:$0x3FB9]  }
0x3d: {  	_ =	shalt  }
0x3e: {  	_ =	shalt  }
0x3f: {  	_ =	shalt  }
0x40: {  	_ =	shalt  }
0x41: {  	_ =	shalt  }
0x42: {  	_ =	shalt  }
0x43: {  	_ =	shalt  }
0x44: {  	_ =	shalt  }
0x45: {  	_ =	shalt  }
0x46: {  	_ =	shalt  }
0x47: {  	_ =	shalt  }
0x48: {  	_ =	shalt  }
0x49: {  	_ =	shalt  }
0x4a: {  	_ =	shalt  }
0x4b: {  	_ =	shalt  }
0x4c: {  	_ =	shalt  }
0x4d: {  	_ =	shalt  }
0x4e: {  	_ =	shalt  }
0x4f: {  	_ =	shalt  }
0x50: {  	_ =	shalt  }
0x51: {  	_ =	shalt  }
0x52: {  	_ =	shalt  }
0x53: {  	_ =	shalt  }
0x54: {  	_ =	shalt  }
0x55: {  	_ =	shalt  }
0x56: {  	_ =	shalt  }
0x57: {  	_ =	shalt  }
0x58: {  	_ =	shalt  }
0x59: {  	_ =	shalt  }
0x5a: {  	_ =	shalt  }
0x5b: {  	_ =	shalt  }
0x5c: {  	_ =	shalt  }
0x5d: {  	_ =	shalt  }
0x5e: {  	_ =	shalt  }
0x5f: {  	_ =	shalt  }
0x60: {  	_ =	shalt  }
0x61: {  	_ =	shalt  }
0x62: {  	_ =	shalt  }
0x63: {  	_ =	shalt  }
0x64: {  	_ =	shalt  }
0x65: {  	_ =	shalt  }
0x66: {  	_ =	shalt  }
0x67: {  	_ =	shalt  }
0x68: {  	_ =	shalt  }
0x69: {  	_ =	shalt  }
0x6a: {  	_ =	shalt  }
0x6b: {  	_ =	shalt  }
0x6c: {  	_ =	shalt  }
0x6d: {  	_ =	shalt  }
0x6e: {  	_ =	shalt  }
0x6f: {  	_ =	shalt  }
0x70: {  	_ =	shalt  }
0x71: {  	_ =	shalt  }
0x72: {  	_ =	shalt  }
0x73: {  	_ =	shalt  }
0x74: {  	_ =	shalt  }
0x75: {  	_ =	shalt  }
0x76: {  	_ =	shalt  }
0x77: {  	_ =	shalt  }
0x78: {  	_ =	shalt  }
0x79: {  	_ =	shalt  }
0x7a: {  	_ =	shalt  }
0x7b: {  	_ =	shalt  }
0x7c: {  	_ =	shalt  }
0x7d: {  	_ =	shalt  }
0x7e: {  	_ =	shalt  }
0x7f: {  	_ =	shalt  }
0x80: {  	_ =	shalt  }
0x81: {  	_ =	shalt  }
0x82: {  	_ =	shalt  }
0x83: {  	_ =	shalt  }
0x84: {  	_ =	shalt  }
0x85: {  	_ =	shalt  }
0x86: {  	_ =	shalt  }
0x87: {  	_ =	shalt  }
.Lfunc_end0:
.L_simem_size_0:
called_computation_lowered:
.L_overlay_start_0:
0x88: {  	s2 =	sld [smem:$0x3FD9]  }
0x89: {  	s3 =	sld [smem:$0x3FFE];
	_ =	sdelay $0x1  }
0x8a: {  	s1 =	srdreg.scid  }
0x8b: {  	s0 =	sand.u32 $0x1, s1  }
0x8c: {  	s17 =	sshll.u32 s0, $0xA;
	s2 =	sadd.s32 s3, s2  }
0x8d: {  	s2 =	sadd.s32 s2, s17  }
0x8e: {  	[smem:$0x3FC5] =	sst s2  }
0x8f: {  	_ = 	snop  }
0x90: {  	s2 =	sld [smem:$0x3FC7]  }
0x91: {  	s18 =	sld [smem:$0x3FD0];
	(tm) =	ssettm $0x1  }
0x92: {  	s4 =	sld [smem:$0x3FFB];
	_ =	sdelay $0x3  }
0x93: {  	_ =	strace s4  }
0x94: {  	s4 =	sld [smem:$0x3FFC];
	_ =	sdelay $0x3  }
0x95: {  	_ =	strace s4  }
0x96: {  	s4 =	sld [smem:$0x3FFD];
	_ =	sdelay $0x3  }
0x97: {  	_ =	strace s4  }
0x98: {  	_ =	strace $0x8FFFFFFF  }
0x99: {  	s19 =	sld [smem:$0x3FDB];
	_ =	sdelay $0x1  }
0x9a: {  	s5 =	simm.s32 $_scs_section_size  }
0x9b: {  	s6 =	simm.s32 $_size__tile_overlayer_lowered;
	s7 =	simm.s32 $_tile_overlayer_lowered  }
0x9c: {  	s22 =	simm.s32 $0x1BFF;
	s21 =	sshll.u32 s7, $0x1;
	s4 =	sadd.s32 s5, s19  }
0x9d: {  	s8 =	simm.s32 $0x0;
	s20 =	sshll.u32 s6, $0x1;
	s6 =	sadd.s32 s21, s4  }
0x9e: {  	[timem:s8], [sflag:s22] =	dma.local [hbm:s6], s20  }
0x9f: {  	_ =	swait.ge [sflag:s22], s20  }
0xa0: {  	s5 =	ssub.s32 $0x0, s20;
	[sflag:s22] =	ssyncset.done $0x0  }
0xa1: {  	[sflag:s22] =	ssyncadd.s32 s5;
	_ =	sdelay $0x1  }
0xa2: {  	s23 =	simm.s32 $0x1B8B  }
0xa3: {  	_ =	swait.ge [sflag:s23], $0x1  }
0xa4: {  	[sflag:s23] =	ssyncset.done $0x0  }
0xa5: {  	s25 =	simm.s32 $0x1B8E;
	s24 =	sld [smem:$0x3FFE];
	[sflag:s23] =	ssyncadd.s32 $0xFFFFFFFF  }
0xa6: {  	s26 =	simm.s32 $execute0_lowered;
	[smem:$0x3FD2] =	sst s25  }
0xa7: {  	s6 =	sshll.u32 s26, $0x1;
	_ =	strace $0x80000046;
	[dreg:$0x1] =	wrdreg $0xFFFFFFFF  }
0xa8: {  	s28 =	simm.s32 $_size_execute0_lowered;
	s4 =	sadd.s32 s4, s6;
	[dreg:$0x0] =	wrdreg $0x0  }
0xa9: {  	s6 =	sshll.u32 s28, $0x1;
	[dreg:$0x2] =	wrdreg s4  }
0xaa: {  	[dreg:$0x3] =	wrdreg s6  }
0xab: {  	[dreg:$0x4] =	wrdreg $0xC0  }
0xac: {  	_ =	task [dreg:s8], $0x5FFFF  }
0xad: {  	[dreg:$0x1] =	wrdreg $0xFFFFFFFF  }
0xae: {  	[dreg:$0x0] =	wrdreg $0x60  }
0xaf: {  	[dreg:$0x2] =	wrdreg s24  }
0xb0: {  	[dreg:$0x3] =	wrdreg s2  }
0xb1: {  	[dreg:$0x4] =	wrdreg s18  }
0xb2: {  	[dreg:$0x5] =	wrdreg $0x9  }
0xb3: {  	_ =	task.clear_ibuf [dreg:s8], $0x6FFFF;
	_ =	strace $0x90000046  }
0xb4: {  	s29 =	simm.s32 $0x9;
	_ =	strace $0x80000048  }
0xb5: {  	_ =	swait.ge [sflag:s29], $0x1  }
0xb6: {  	[sflag:s29] =	ssyncadd.s32 $0xFFFFFFFF  }
0xb7: {  	_ =	strace $0x90000048  }
0xb8: {  	_ =	sfence  }
0xb9: {  	s30 =	sld [smem:$0x0];
	_ =	sdelay $0x2  }
0xba: {  	s31 =	sshll.u32 s1, $0xD;
	s1 =	sshrl.u32 s1, $0x2  }
0xbb: {  	s3 =	sand.u32 $0x4000, s31;
	s1 =	sadd.s32 s1, s30  }
0xbc: {  	s0 =	sor.u32 s3, s0;
	s1 =	sshll.u32 s1, $0x11  }
0xbd: {  	s0 =	sor.u32 s1, s0  }
0xbe: {  	s0 =	sadd.s32 $0x8F2B, s0  }
0xbf: {  	[sflag:s0] =	ssyncadd.remote.s32 $0x1  }
0xc0: {  	_ =	sfence.sel $0xFFFF  }
0xc1: {  	[dreg:$0x0] =	wrdreg $0xFFFFFFFF;
	(pc) =	sbr.abs _section_cstart, $3  }
0xc2: {  	[dreg:$0x1] =	wrdreg $0xFFFFFFFF  }
0xc3: {  	_ =	task.clear_ibuf [dreg:s8], $0x2FFFF;
	_ =	strace $0x9FFFFFFF  }
0xc4: {  	(tm) =	ssettm $0x7FFFFFFF  }
0xc5: {  	_ =	shalt  }
tec
execute0_lowered:
.L_overlay_start_1:
0x0: {  	(tag) =	ssettag $0x1  }
0x1: {  	s4 =	rddreg [dreg:$0x0]  }
0x2: {  	s1 =	rddreg [dreg:$0x1]  }
0x3: {  	s11 =	rddreg [dreg:$0x2]  }
0x4: {  	s0 =	rddreg [dreg:$0x3];
	s3 =	simm.s32 $0x0;
	s5 =	srdreg.scid  }
0x5: {  	s2 =	stileid.u32;
	s15 =	simm.s32 $0x2;
	s16 =	simm.s32 $0xA000  }
0x6: {  	s17 =	simm.s32 $0xC000;
	s18 =	simm.s32 $0x3;
	s19 =	simm.s32 $0x14000  }
0x7: {  	s20 =	simm.s32 $0x4;
	s21 =	simm.s32 $0x5;
	s22 =	simm.s32 $0x0  }
0x8: {  	[smem:$0x7FF] =	sst s3;
	s5 =	sand.u32 $0x1, s5;
	s6 =	sshll.u32 s2, $0x6  }
0x9: {  	s9 =	sadd.s32 $0x800, s4;
	s7 =	sshll.u32 s5, $0x5;
	s23 =	ssub.s32 $0x2, s5  }
0xa: {  	_ =	strace $0x80000047;
	s24 =	sor.u32 s7, s6;
	s25 =	sshrl.u32 s23, $0x1  }
0xb: {  	s7 =	sshll.u32 s24, $0x7;
	s8 =	sshrl.u32 s24, $0x3;
	s12 =	ssub.s32 s23, s25  }
0xc: {  	s28 =	sshll.u32 s24, $0x9;
	s4 =	sadd.s32 s9, s7;
	s10 =	sor.u32 $0x1, s8  }
0xd: {  	s13 =	sor.u32 $0x2, s8;
	s6 =	sadd.s32 s11, s28;
	s14 =	sor.u32 $0x3, s8  }
0xe: {  	s12 =	smax.u32 s12, $0x1;
	s26 =	sshll.u32 s10, $0xA;
	s29 =	sshll.u32 s13, $0xA  }
0xf: {  	s10 =	sshll.u32 s10, $0xC;
	s30 =	sshll.u32 s14, $0xA;
	s13 =	sshll.u32 s13, $0xC  }
0x10: {  	s31 =	sshll.u32 s14, $0xC;
	s14 =	simm.s32 $0x1;
	s5 =	sadd.s32 s9, s26  }
0x11: {  	s7 =	sadd.s32 s9, s29;
	s8 =	sadd.s32 s11, s10;
	s9 =	sadd.s32 s9, s30  }
0x12: {  	s10 =	sadd.s32 s11, s13;
	s11 =	sadd.s32 s11, s31;
	s13 =	simm.s32 $0x8000  }
.LBB2_1:
0x13: {  	[tilespmem:s3], [sflag:$0x1] =	stream.linear.gather [hbm4b:s1+s3], $0x8000, $0x38;
	[tilespmem:$0x1C000] =	vst v63  }
0x14: {  	_ = 	snop  }
0x15: {  	[tilespmem:s13], [sflag:$0x2] =	stream.linear.gather [hbm4b:s4+s3], $0x2000, $0x38;
	[tilespmem:$0x1C000] =	vst v63  }
0x16: {  	_ =	swait.ge [sflag:s14], $0x8000  }
0x17: {  	[sflag:s14] =	ssyncset.done $0x0  }
0x18: {  	[sflag:s14] =	ssyncadd.s32 $0xFFFF8000  }
0x19: {  	_ =	swait.ge [sflag:s15], $0x2000  }
0x1a: {  	s23 =	sand.u32 $0x70, s3;
	s24 =	sand.u32 $0x7C00, s3;
	[sflag:s15] =	ssyncset.done $0x0  }
0x1b: {  	s23 =	sor.u32 s23, s24;
	[sflag:s15] =	ssyncadd.s32 $0xFFFFE000  }
0x1c: {  	[tilespmem:s16], [sflag:$0x3] =	stream.linear.gather [hbm4b:s5+s3], $0x2000, $0x38;
	[tilespmem:$0x1C000] =	vst v63  }
0x1d: {  	v0 =	vld [tilespmem:s23+$0x180]  }
0x1e: {  	v1 =	vld [tilespmem:s23+$0x100];
	_ =	sdelay $0x3  }
0x1f: {  	v3 =	vshll.u32 v0, $0x3  }
0x20: {  	v0 =	vand.u32 $0x7F, v0;
	v4 =	vshll.u32 v1, $0x3;
	v3 =	vand.u32 $0xFFFFFC00, v3  }
0x21: {  	v7 =	vld [tilespmem:s23+$0x200];
	v1 =	vand.u32 $0x7F, v1;
	v4 =	vand.u32 $0xFFFFFC00, v4;
	v0 =	vor.u32 v0, v3  }
0x22: {  	v1 =	vor.u32 v1, v4  }
0x23: {  	v2 =	vld [tilespmem:s23+$0x0];
	v5 =	vor.u32 $0x80, v1  }
0x24: {  	v6 =	vor.u32 $0x100, v0  }
0x25: {  	v3 =	vld [tilespmem:s23+$0x80];
	v11 =	vor.u32 $0x180, v1  }
0x26: {  	v16 =	vshll.u32 v7, $0x3;
	v14 =	vor.u32 $0x200, v0;
	v9 =	vld.idx.msk [tilespmem:v0+s13+$0x0], $0xffff  }
0x27: {  	v7 =	vand.u32 $0x7F, v7;
	v16 =	vand.u32 $0xFFFFFC00, v16;
	v19 =	vor.u32 $0x380, v0;
	v10 =	vld.idx.msk [tilespmem:v1+s13+$0x0], $0xffff  }
0x28: {  	v4 =	vshll.u32 v2, $0x3;
	v18 =	vor.u32 v7, v16;
	v20 =	vor.u32 $0x300, v1;
	v13 =	vld.idx.msk [tilespmem:v5+s13+$0x0], $0xffff  }
0x29: {  	v2 =	vand.u32 $0x7F, v2;
	v4 =	vand.u32 $0xFFFFFC00, v4;
	v25 =	vor.u32 $0x380, v18;
	v6 =	vld.idx.msk [tilespmem:v6+s13+$0x0], $0xffff  }
0x2a: {  	v8 =	vor.u32 v2, v4;
	v11 =	vld.idx.msk [tilespmem:v11+s13+$0x0], $0xffff  }
0x2b: {  	v2 =	vor.u32 $0x80, v0;
	v14 =	vld.idx.msk [tilespmem:v14+s13+$0x0], $0xffff  }
0x2c: {  	v4 =	vor.u32 $0x200, v1;
	v19 =	vld.idx.msk [tilespmem:v19+s13+$0x0], $0xffff  }
0x2d: {  	v26 =	vor.u32 $0x380, v8;
	v12 =	vshll.u32 v3, $0x3;
	v20 =	vld.idx.msk [tilespmem:v20+s13+$0x0], $0xffff  }
0x2e: {  	v28 =	vor.u32 $0x200, v8;
	v3 =	vand.u32 $0x7F, v3;
	v12 =	vand.u32 $0xFFFFFC00, v12;
	v25 =	vld.idx.msk [tilespmem:v25+s13+$0x0], $0xffff  }
0x2f: {  	v30 =	vor.u32 $0x80, v8;
	v3 =	vor.u32 v3, v12;
	v12 =	vld.idx.msk [tilespmem:v8+s13+$0x0], $0xffff  }
0x30: {  	v36 =	vor.u32 $0x280, v8;
	v15 =	vld.idx.msk [tilespmem:v2+s13+$0x0], $0xffff  }
0x31: {  	v5 =	vor.u32 $0x280, v0;
	v17 =	vld.idx.msk [tilespmem:v4+s13+$0x0], $0xffff  }
0x32: {  	v26 =	vld.idx.msk [tilespmem:v26+s13+$0x0], $0xffff  }
0x33: {  	v2 =	vor.u32 $0x280, v1;
	v28 =	vld.idx.msk [tilespmem:v28+s13+$0x0], $0xffff  }
0x34: {  	v4 =	vor.u32 $0x180, v0;
	v30 =	vld.idx.msk [tilespmem:v30+s13+$0x0], $0xffff  }
0x35: {  	v38 =	vadd.f32 v9, v10;
	v9 =	vld.idx.msk [tilespmem:v36+s13+$0x0], $0xffff  }
0x36: {  	v7 =	vld.idx.msk [tilespmem:v5+s13+$0x0], $0xffff;
	v5 =	vor.u32 $0x380, v3  }
0x37: {  	v22 =	vor.u32 $0x200, v18;
	v16 =	vld.idx.msk [tilespmem:v3+s13+$0x0], $0xffff  }
0x38: {  	v0 =	vor.u32 $0x300, v0;
	v21 =	vld.idx.msk [tilespmem:v2+s13+$0x0], $0xffff  }
0x39: {  	v35 =	vor.u32 $0x100, v3;
	v23 =	vld.idx.msk [tilespmem:v4+s13+$0x0], $0xffff  }
0x3a: {  	v4 =	vor.u32 $0x380, v1;
	v2 =	vld.idx.msk [tilespmem:v18+s13+$0x0], $0xffff;
	v1 =	vor.u32 $0x100, v1  }
0x3b: {  	v24 =	vld.idx.msk [tilespmem:v5+s13+$0x0], $0xffff  }
0x3c: {  	v5 =	vld.idx.msk [tilespmem:v22+s13+$0x0], $0xffff;
	v22 =	vor.u32 $0x280, v3  }
0x3d: {  	v29 =	vld.idx.msk [tilespmem:v0+s13+$0x0], $0xffff;
	v0 =	vor.u32 $0x100, v8  }
0x3e: {  	v33 =	vor.u32 $0x80, v3;
	v62 =	vld.idx.msk [tilespmem:v35+s13+$0x0], $0xffff  }
0x3f: {  	v32 =	vld.idx.msk [tilespmem:v1+s13+$0x0], $0xffff;
	v1 =	vor.u32 $0x200, v3  }
0x40: {  	v31 =	vor.u32 $0x300, v8;
	v27 =	vld.idx.msk [tilespmem:v4+s13+$0x0], $0xffff  }
0x41: {  	v4 =	vld.idx.msk [tilespmem:v22+s13+$0x0], $0xffff;
	v22 =	vor.u32 $0x180, v8  }
0x42: {  	v60 =	vor.u32 $0x180, v3;
	v34 =	vld.idx.msk [tilespmem:v0+s13+$0x0], $0xffff  }
0x43: {  	v3 =	vor.u32 $0x300, v3;
	v0 =	vadd.f32 v15, v13;
	v15 =	vld.idx.msk [tilespmem:v33+s13+$0x0], $0xffff  }
0x44: {  	v63 =	vor.u32 $0x300, v18;
	v12 =	vadd.f32 v16, v12;
	v37 =	vld.idx.msk [tilespmem:v1+s13+$0x0], $0xffff;
	v1 =	vadd.f32 v7, v21  }
0x45: {  	v61 =	vor.u32 $0x100, v18;
	v8 =	vld.idx.msk [tilespmem:v31+s13+$0x0], $0xffff;
	v13 =	vadd.f32 v19, v27;
	v19 =	vadd.f32 v24, v26  }
0x46: {  	v7 =	vadd.f32 v23, v11;
	v23 =	vadd.f32 v14, v17;
	v10 =	vld.idx.msk [tilespmem:v22+s13+$0x0], $0xffff;
	v22 =	vor.u32 $0x180, v18  }
0x47: {  	v11 =	vadd.f32 v6, v32;
	v17 =	vld.idx.msk [tilespmem:v60+s13+$0x0], $0xffff;
	v6 =	vadd.f32 v13, v19  }
0x48: {  	v16 =	vld.idx.msk [tilespmem:v3+s13+$0x0], $0xffff;
	v21 =	vadd.f32 v38, v12;
	v12 =	vadd.f32 v15, v30  }
0x49: {  	s31 =	sand.u32 $0x7, s3;
	v15 =	vld.idx.msk [tilespmem:v63+s13+$0x0], $0xffff;
	v25 =	vadd.f32 v6, v25;
	v19 =	vadd.f32 v37, v28  }
0x4a: {  	s25 =	simm.s32 $0x10;
	s24 =	sshll.u32 s31, $0x4;
	v3 =	vor.u32 $0x80, v18;
	v14 =	vadd.f32 v29, v20;
	v6 =	vor.u32 $0x280, v18;
	v18 =	vld.idx.msk [tilespmem:v61+s13+$0x0], $0xffff  }
0x4b: {  	s26 =	simm.s32 $0x0;
	s28 =	simm.s32 $0x0;
	s24 =	sadd.s32 $0x0, s24;
	v20 =	vadd.f32 v62, v34;
	v13 =	vld.idx.msk [tilespmem:v22+s13+$0x0], $0xffff;
	v22 =	vadd.f32 v23, v19;
	v19 =	vmul.f32 $1.442695020e+00, v25  }
.LBB2_2:
0x4c: {  	p0 =	sne.s32 s25, $0xFF0;
	v2 =	vadd.f32 v21, v2;
	s26 =	sadd.s32 $0x80, s26;
	s28 =	sadd.s32 $0x1, s28  }
0x4d: {  	v10 =	vadd.f32 v17, v10;
	s29 =	smov.u32 s25;
	s25 =	sadd.s32 $0x10, s25;
	s30 =	sand.u32 $0x7, s28;
	v5 =	vadd.f32 v22, v5  }
0x4e: {  	v11 =	vadd.f32 v11, v20;
	v8 =	vadd.f32 v16, v8;
	s30 =	sshll.u32 s30, $0x4;
	v2 =	vmul.f32 $1.442695020e+00, v2  }
0x4f: {  	v7 =	vadd.f32 v7, v10;
	s30 =	sadd.s32 s30, s26;
	v5 =	vmul.f32 $1.442695020e+00, v5;
	v6 =	vld.idx.msk [tilespmem:v6+s13+$0x0], $0xffff;
	(erf) = vpow2.f32 v19  }
0x50: {  	v10 =	vadd.f32 v11, v18;
	v8 =	vadd.f32 v14, v8;
	v3 =	vld.idx.msk [tilespmem:v3+s13+$0x0], $0xffff  }
0x51: {  	v4 =	vadd.f32 v4, v9;
	v7 =	vadd.f32 v7, v13;
	(erf) = vpow2.f32 v5  }
0x52: {  	v5 =	vmul.f32 $1.442695020e+00, v10;
	v8 =	vadd.f32 v8, v15  }
0x53: {  	v1 =	vadd.f32 v1, v4;
	v7 =	vmul.f32 $1.442695020e+00, v7  }
0x54: {  	v0 =	vadd.f32 v0, v12;
	v4 =	vmul.f32 $1.442695020e+00, v8;
	(erf) = vpow2.f32 v5  }
0x55: {  	v1 =	vadd.f32 v1, v6;
	(erf) = vpow2.f32 v7  }
0x56: {  	v0 =	vadd.f32 v0, v3;
	(erf) = vpow2.f32 v2  }
0x57: {  	v1 =	vmul.f32 $1.442695020e+00, v1;
	(erf) = vpow2.f32 v4  }
0x58: {  	v3 =	vmul.f32 $1.442695020e+00, v0;
	v2 =	vpop (erf)  }
0x59: {  	v2 =	vadd.f32 $1.000000000e+00, v2;
	(erf) = vpow2.f32 v1  }
0x5a: {  	(erf) = vpow2.f32 v3;
	v0 =	vpop (erf)  }
0x5b: {  	v0 =	vadd.f32 $1.000000000e+00, v0;
	(erf) = vrcp.f32 v2;
	_ =	sdelay $0x1  }
0x5c: {  	v1 =	vpop (erf);
	(erf) = vrcp.f32 v0  }
0x5d: {  	v3 =	vadd.f32 $1.000000000e+00, v1;
	v1 =	vpop (erf)  }
0x5e: {  	v4 =	vadd.f32 $1.000000000e+00, v1;
	v2 =	vpop (erf)  }
0x5f: {  	v5 =	vadd.f32 $1.000000000e+00, v2;
	(erf) = vrcp.f32 v3;
	v0 =	vpop (erf)  }
0x60: {  	v0 =	vadd.f32 $1.000000000e+00, v0;
	(erf) = vrcp.f32 v4  }
0x61: {  	(erf) = vrcp.f32 v5;
	v1 =	vpop (erf)  }
0x62: {  	v1 =	vadd.f32 $1.000000000e+00, v1;
	v2 =	vpop (erf);
	(erf) = vrcp.f32 v0  }
0x63: {  	v3 =	vadd.f32 $1.000000000e+00, v2;
	v2 =	vpop (erf)  }
0x64: {  	(erf) = vrcp.f32 v1  }
0x65: {  	(erf) = vrcp.f32 v3;
	v0 =	vpop (erf)  }
0x66: {  	[tilespmem:s23+$0xC200] =	vst v0;
	_ =	sdelay $0x1  }
0x67: {  	v0 =	vpop (erf)  }
0x68: {  	[tilespmem:s23+$0xC100] =	vst v0;
	v0 =	vpop (erf)  }
0x69: {  	[tilespmem:s23+$0xC180] =	vst v0;
	v0 =	vpop (erf)  }
0x6a: {  	[tilespmem:s23+$0xC000] =	vst v0;
	v0 =	vpop (erf)  }
0x6b: {  	[tilespmem:s23+$0xC300] =	vst v0  }
0x6c: {  	v0 =	vpop (erf)  }
0x6d: {  	[tilespmem:s23+$0xC280] =	vst v0;
	v0 =	vpop (erf)  }
0x6e: {  	s24 =	sor.u32 $0x380, s24;
	s29 =	sand.u32 $0x70, s29;
	s31 =	sand.u32 $0x7C00, s26;
	[tilespmem:s23+$0xC080] =	vst v0  }
0x6f: {  	s23 =	sor.u32 s29, s31;
	[tilespmem:s24+$0xC000] =	vst v2;
	s24 =	smov.u32 s30  }
0x70: {  	v0 =	vld [tilespmem:s23+$0x180]  }
0x71: {  	v1 =	vld [tilespmem:s23+$0x100]  }
0x72: {  	v2 =	vld [tilespmem:s23+$0x0];
	_ =	sdelay $0x2  }
0x73: {  	v3 =	vand.u32 $0x7F, v0;
	v0 =	vshll.u32 v0, $0x3  }
0x74: {  	v4 =	vld [tilespmem:s23+$0x80];
	v5 =	vand.u32 $0x7F, v1;
	v1 =	vshll.u32 v1, $0x3;
	v0 =	vand.u32 $0xFFFFFC00, v0  }
0x75: {  	v6 =	vand.u32 $0x7F, v2;
	v1 =	vand.u32 $0xFFFFFC00, v1;
	v7 =	vor.u32 v3, v0  }
0x76: {  	v0 =	vshll.u32 v2, $0x3;
	v1 =	vor.u32 v5, v1;
	v2 =	vor.u32 $0x80, v7  }
0x77: {  	v0 =	vand.u32 $0xFFFFFC00, v0;
	v3 =	vor.u32 $0x80, v1;
	v8 =	vor.u32 $0x100, v1  }
0x78: {  	v5 =	vor.u32 $0x100, v7;
	v9 =	vor.u32 $0x180, v1;
	v10 =	vor.u32 $0x200, v1  }
0x79: {  	v12 =	vor.u32 $0x280, v7;
	v0 =	vor.u32 v6, v0;
	v6 =	vor.u32 $0x280, v1;
	v11 =	vld [tilespmem:s23+$0x200]  }
0x7a: {  	v15 =	vor.u32 $0x80, v0;
	v16 =	vor.u32 $0x100, v0;
	v13 =	vshll.u32 v4, $0x3;
	v14 =	vld.idx.msk [tilespmem:v7+s13+$0x0], $0xffff  }
0x7b: {  	v18 =	vor.u32 $0x180, v0;
	v19 =	vor.u32 $0x200, v0;
	v4 =	vand.u32 $0x7F, v4;
	v17 =	vld.idx.msk [tilespmem:v1+s13+$0x0], $0xffff  }
0x7c: {  	v21 =	vor.u32 $0x280, v0;
	v22 =	vor.u32 $0x300, v0;
	v13 =	vand.u32 $0xFFFFFC00, v13;
	v20 =	vld.idx.msk [tilespmem:v3+s13+$0x0], $0xffff  }
0x7d: {  	v3 =	vor.u32 v4, v13;
	v4 =	vor.u32 $0x180, v7;
	v13 =	vld.idx.msk [tilespmem:v5+s13+$0x0], $0xffff;
	v5 =	vor.u32 $0x200, v7  }
0x7e: {  	v24 =	vor.u32 $0x80, v3;
	v25 =	vor.u32 $0x180, v3;
	v26 =	vor.u32 $0x200, v3;
	v23 =	vld.idx.msk [tilespmem:v0+s13+$0x0], $0xffff  }
0x7f: {  	v27 =	vor.u32 $0x100, v3;
	v28 =	vor.u32 $0x280, v3;
	v29 =	vor.u32 $0x300, v3;
	v2 =	vld.idx.msk [tilespmem:v2+s13+$0x0], $0xffff  }
0x80: {  	v31 =	vor.u32 $0x380, v0;
	v32 =	vor.u32 $0x380, v3;
	v30 =	vshll.u32 v11, $0x3;
	v10 =	vld.idx.msk [tilespmem:v10+s13+$0x0], $0xffff  }
0x81: {  	v0 =	vand.u32 $0x7F, v11;
	v11 =	vand.u32 $0xFFFFFC00, v30;
	v30 =	vadd.f32 v14, v17;
	v9 =	vld.idx.msk [tilespmem:v9+s13+$0x0], $0xffff  }
0x82: {  	v11 =	vor.u32 v0, v11;
	v14 =	vor.u32 $0x380, v1;
	v17 =	vor.u32 $0x380, v7;
	v12 =	vld.idx.msk [tilespmem:v12+s13+$0x0], $0xffff  }
0x83: {  	v34 =	vor.u32 $0x100, v11;
	v35 =	vor.u32 $0x200, v11;
	v33 =	vld.idx.msk [tilespmem:v3+s13+$0x0], $0xffff;
	v3 =	vor.u32 $0x80, v11  }
0x84: {  	v1 =	vor.u32 $0x300, v1;
	v36 =	vor.u32 $0x180, v11;
	v38 =	vor.u32 $0x380, v11;
	v37 =	vld.idx.msk [tilespmem:v5+s13+$0x0], $0xffff  }
0x85: {  	v39 =	vor.u32 $0x300, v11;
	v0 =	vadd.f32 v2, v20;
	v20 =	vld.idx.msk [tilespmem:v6+s13+$0x0], $0xffff;
	v6 =	vor.u32 $0x280, v11  }
0x86: {  	v40 =	vor.u32 $0x300, v7;
	v4 =	vld.idx.msk [tilespmem:v4+s13+$0x0], $0xffff  }
0x87: {  	v2 =	vld.idx.msk [tilespmem:v11+s13+$0x0], $0xffff  }
0x88: {  	v32 =	vld.idx.msk [tilespmem:v32+s13+$0x0], $0xffff  }
0x89: {  	v17 =	vld.idx.msk [tilespmem:v17+s13+$0x0], $0xffff  }
0x8a: {  	v41 =	vld.idx.msk [tilespmem:v1+s13+$0x0], $0xffff  }
0x8b: {  	v1 =	vadd.f32 v12, v20;
	v5 =	vld.idx.msk [tilespmem:v35+s13+$0x0], $0xffff  }
0x8c: {  	v12 =	vld.idx.msk [tilespmem:v14+s13+$0x0], $0xffff  }
0x8d: {  	v7 =	vadd.f32 v4, v9;
	v14 =	vld.idx.msk [tilespmem:v40+s13+$0x0], $0xffff  }
0x8e: {  	v20 =	vld.idx.msk [tilespmem:v38+s13+$0x0], $0xffff  }
0x8f: {  	v9 =	vld.idx.msk [tilespmem:v31+s13+$0x0], $0xffff  }
0x90: {  	v31 =	vadd.f32 v37, v10;
	v11 =	vld.idx.msk [tilespmem:v8+s13+$0x0], $0xffff  }
0x91: {  	v4 =	vld.idx.msk [tilespmem:v28+s13+$0x0], $0xffff  }
0x92: {  	v19 =	vld.idx.msk [tilespmem:v19+s13+$0x0], $0xffff  }
0x93: {  	v28 =	vld.idx.msk [tilespmem:v16+s13+$0x0], $0xffff  }
0x94: {  	v15 =	vld.idx.msk [tilespmem:v15+s13+$0x0], $0xffff  }
0x95: {  	v8 =	vld.idx.msk [tilespmem:v22+s13+$0x0], $0xffff  }
0x96: {  	v12 =	vadd.f32 v17, v12;
	v11 =	vadd.f32 v13, v11;
	v13 =	vld.idx.msk [tilespmem:v26+s13+$0x0], $0xffff  }
0x97: {  	v10 =	vld.idx.msk [tilespmem:v18+s13+$0x0], $0xffff  }
0x98: {  	v16 =	vadd.f32 v32, v9;
	v18 =	vld.idx.msk [tilespmem:v24+s13+$0x0], $0xffff  }
0x99: {  	v22 =	vld.idx.msk [tilespmem:v27+s13+$0x0], $0xffff  }
0x9a: {  	v12 =	vadd.f32 v12, v16;
	v9 =	vld.idx.msk [tilespmem:v21+s13+$0x0], $0xffff  }
.Ltmp0:
0x9b: {  	v21 =	vadd.f32 v33, v23;
	v17 =	vld.idx.msk [tilespmem:v25+s13+$0x0], $0xffff;
	(pc) =	sbr.rel @p0 .LBB2_2-.Ltmp0, $4  }
0x9c: {  	v19 =	vadd.f32 v13, v19;
	v16 =	vld.idx.msk [tilespmem:v29+s13+$0x0], $0xffff  }
0x9d: {  	v14 =	vadd.f32 v14, v41;
	v23 =	vadd.f32 v12, v20;
	v13 =	vld.idx.msk [tilespmem:v36+s13+$0x0], $0xffff  }
0x9e: {  	v21 =	vadd.f32 v30, v21;
	v12 =	vadd.f32 v18, v15;
	v18 =	vld.idx.msk [tilespmem:v34+s13+$0x0], $0xffff  }
0x9f: {  	v20 =	vadd.f32 v22, v28;
	v22 =	vadd.f32 v31, v19;
	v19 =	vmul.f32 $1.442695020e+00, v23;
	v15 =	vld.idx.msk [tilespmem:v39+s13+$0x0], $0xffff  }
0xa0: {  	_ = 	snop  }
0xa1: {  	v10 =	vadd.f32 v17, v10  }
0xa2: {  	v5 =	vadd.f32 v22, v5;
	v11 =	vadd.f32 v11, v20  }
0xa3: {  	v7 =	vadd.f32 v7, v10  }
0xa4: {  	v2 =	vadd.f32 v21, v2;
	v3 =	vld.idx.msk [tilespmem:v3+s13+$0x0], $0xffff;
	v5 =	vmul.f32 $1.442695020e+00, v5;
	v10 =	vadd.f32 v11, v18  }
0xa5: {  	v6 =	vld.idx.msk [tilespmem:v6+s13+$0x0], $0xffff;
	v8 =	vadd.f32 v16, v8;
	(erf) = vpow2.f32 v19;
	v7 =	vadd.f32 v7, v13  }
0xa6: {  	v4 =	vadd.f32 v4, v9;
	(erf) = vpow2.f32 v5;
	v5 =	vmul.f32 $1.442695020e+00, v10  }
0xa7: {  	v0 =	vadd.f32 v0, v12;
	v8 =	vadd.f32 v14, v8;
	v7 =	vmul.f32 $1.442695020e+00, v7  }
0xa8: {  	v1 =	vadd.f32 v1, v4;
	v2 =	vmul.f32 $1.442695020e+00, v2;
	(erf) = vpow2.f32 v5  }
0xa9: {  	v4 =	vadd.f32 v8, v15;
	v0 =	vadd.f32 v0, v3;
	(erf) = vpow2.f32 v7  }
0xaa: {  	v1 =	vadd.f32 v1, v6;
	(erf) = vpow2.f32 v2  }
0xab: {  	v4 =	vmul.f32 $1.442695020e+00, v4;
	v0 =	vmul.f32 $1.442695020e+00, v0  }
0xac: {  	v1 =	vmul.f32 $1.442695020e+00, v1  }
0xad: {  	(erf) = vpow2.f32 v4  }
0xae: {  	(erf) = vpow2.f32 v1  }
0xaf: {  	(erf) = vpow2.f32 v0;
	v0 =	vpop (erf)  }
0xb0: {  	v0 =	vadd.f32 $1.000000000e+00, v0;
	v1 =	vpop (erf)  }
0xb1: {  	v1 =	vadd.f32 $1.000000000e+00, v1;
	v2 =	vpop (erf)  }
0xb2: {  	(erf) = vrcp.f32 v0;
	v0 =	vadd.f32 $1.000000000e+00, v2;
	v2 =	vpop (erf)  }
0xb3: {  	(erf) = vrcp.f32 v1;
	v1 =	vadd.f32 $1.000000000e+00, v2;
	v2 =	vpop (erf)  }
0xb4: {  	v2 =	vadd.f32 $1.000000000e+00, v2;
	_ =	sdelay $0x1  }
0xb5: {  	(erf) = vrcp.f32 v0;
	v0 =	vpop (erf)  }
0xb6: {  	(erf) = vrcp.f32 v1;
	v0 =	vadd.f32 $1.000000000e+00, v0;
	v1 =	vpop (erf)  }
0xb7: {  	(erf) = vrcp.f32 v2;
	v1 =	vadd.f32 $1.000000000e+00, v1;
	v2 =	vpop (erf)  }
0xb8: {  	(erf) = vrcp.f32 v0;
	v0 =	vadd.f32 $1.000000000e+00, v2  }
0xb9: {  	(erf) = vrcp.f32 v1  }
0xba: {  	(erf) = vrcp.f32 v0;
	_ =	sdelay $0x1  }
0xbb: {  	v0 =	vpop (erf)  }
0xbc: {  	v1 =	vpop (erf)  }
0xbd: {  	[tilespmem:s23+$0xC200] =	vst v1;
	v1 =	vpop (erf)  }
0xbe: {  	[tilespmem:s23+$0xC100] =	vst v1;
	v1 =	vpop (erf)  }
0xbf: {  	[tilespmem:s23+$0xC180] =	vst v1;
	v1 =	vpop (erf)  }
0xc0: {  	[tilespmem:s23+$0xC000] =	vst v1;
	v1 =	vpop (erf)  }
0xc1: {  	[tilespmem:s23+$0xC300] =	vst v1;
	v1 =	vpop (erf)  }
0xc2: {  	[tilespmem:s23+$0xC280] =	vst v1;
	v1 =	vpop (erf)  }
0xc3: {  	s29 =	sor.u32 $0x380, s24;
	[tilespmem:s23+$0xC080] =	vst v1  }
0xc4: {  	s24 =	simm.s32 $0x0;
	[tilespmem:s29+$0xC000] =	vst v0  }
0xc5: {  	[hbm4b:s6+s24] =	stream.linear.scatter [tilespmem:s17], [sflag:$0x4], $0x8000, $0x38;
	[tilespmem:$0x1C000] =	vst v63  }
0xc6: {  	_ =	swait.ge [sflag:s18], $0x2000  }
0xc7: {  	s30 =	sand.u32 $0x70, s24;
	s25 =	sand.u32 $0x7C00, s24;
	[sflag:s18] =	ssyncset.done $0x0  }
0xc8: {  	s23 =	sor.u32 s30, s25;
	[sflag:s18] =	ssyncadd.s32 $0xFFFFE000  }
0xc9: {  	[tilespmem:s13], [sflag:$0x2] =	stream.linear.gather [hbm4b:s7+s24], $0x2000, $0x38;
	[tilespmem:$0x1C000] =	vst v63  }
0xca: {  	v0 =	vld [tilespmem:s23+$0x180]  }
0xcb: {  	v1 =	vld [tilespmem:s23+$0x100]  }
0xcc: {  	v4 =	vld [tilespmem:s23+$0x0];
	_ =	sdelay $0x1  }
0xcd: {  	v8 =	vld [tilespmem:s23+$0x200];
	_ =	sdelay $0x1  }
0xce: {  	v2 =	vld [tilespmem:s23+$0x80];
	v3 =	vshll.u32 v0, $0x3;
	v0 =	vand.u32 $0x7F, v0;
	v5 =	vshll.u32 v1, $0x3  }
0xcf: {  	v1 =	vand.u32 $0x7F, v1;
	v7 =	vshll.u32 v4, $0x3;
	v3 =	vand.u32 $0xFFFFFC00, v3  }
0xd0: {  	v4 =	vand.u32 $0x7F, v4;
	v5 =	vand.u32 $0xFFFFFC00, v5;
	v3 =	vor.u32 v0, v3  }
0xd1: {  	v47 =	vshll.u32 v8, $0x3;
	v7 =	vand.u32 $0xFFFFFC00, v7;
	v5 =	vor.u32 v1, v5  }
0xd2: {  	v8 =	vand.u32 $0x7F, v8;
	v19 =	vand.u32 $0xFFFFFC00, v47;
	v4 =	vor.u32 v4, v7  }
0xd3: {  	v1 =	vshll.u32 v2, $0x3;
	v8 =	vor.u32 v8, v19  }
0xd4: {  	v2 =	vand.u32 $0x7F, v2;
	v0 =	vor.u32 $0x80, v5;
	v1 =	vand.u32 $0xFFFFFC00, v1  }
0xd5: {  	v6 =	vor.u32 $0x80, v3;
	v2 =	vor.u32 v2, v1;
	v1 =	vld.idx.msk [tilespmem:v3+s16+$0x0], $0xffff  }
0xd6: {  	v9 =	vor.u32 $0x180, v3;
	v7 =	vld.idx.msk [tilespmem:v5+s16+$0x0], $0xffff  }
0xd7: {  	v10 =	vor.u32 $0x200, v5;
	v15 =	vld.idx.msk [tilespmem:v4+s16+$0x0], $0xffff  }
0xd8: {  	v44 =	vor.u32 $0x300, v3;
	v33 =	vld.idx.msk [tilespmem:v8+s16+$0x0], $0xffff  }
0xd9: {  	v45 =	vor.u32 $0x300, v5;
	v11 =	vld.idx.msk [tilespmem:v0+s16+$0x0], $0xffff  }
0xda: {  	v46 =	vor.u32 $0x300, v4;
	v6 =	vld.idx.msk [tilespmem:v6+s16+$0x0], $0xffff  }
0xdb: {  	v49 =	vor.u32 $0x280, v4;
	v9 =	vld.idx.msk [tilespmem:v9+s16+$0x0], $0xffff  }
0xdc: {  	v19 =	vor.u32 $0x100, v8;
	v10 =	vld.idx.msk [tilespmem:v10+s16+$0x0], $0xffff  }
0xdd: {  	v50 =	vor.u32 $0x280, v8;
	v16 =	vld.idx.msk [tilespmem:v44+s16+$0x0], $0xffff  }
0xde: {  	v24 =	vor.u32 $0x100, v5;
	v17 =	vld.idx.msk [tilespmem:v45+s16+$0x0], $0xffff  }
0xdf: {  	v27 =	vor.u32 $0x280, v5;
	v18 =	vld.idx.msk [tilespmem:v46+s16+$0x0], $0xffff  }
0xe0: {  	v29 =	vor.u32 $0x200, v3;
	v21 =	vld.idx.msk [tilespmem:v49+s16+$0x0], $0xffff  }
0xe1: {  	v0 =	vor.u32 $0x100, v3;
	v19 =	vld.idx.msk [tilespmem:v19+s16+$0x0], $0xffff  }
0xe2: {  	v34 =	vor.u32 $0x180, v4;
	v22 =	vld.idx.msk [tilespmem:v50+s16+$0x0], $0xffff  }
0xe3: {  	v35 =	vor.u32 $0x200, v4;
	v24 =	vld.idx.msk [tilespmem:v24+s16+$0x0], $0xffff  }
0xe4: {  	v27 =	vld.idx.msk [tilespmem:v27+s16+$0x0], $0xffff  }
0xe5: {  	v12 =	vor.u32 $0x280, v2;
	v29 =	vld.idx.msk [tilespmem:v29+s16+$0x0], $0xffff  }
0xe6: {  	v48 =	vld.idx.msk [tilespmem:v0+s16+$0x0], $0xffff;
	v0 =	vor.u32 $0x280, v3  }
0xe7: {  	v14 =	vor.u32 $0x300, v2;
	v56 =	vld.idx.msk [tilespmem:v34+s16+$0x0], $0xffff  }
0xe8: {  	v26 =	vor.u32 $0x100, v2;
	v57 =	vld.idx.msk [tilespmem:v35+s16+$0x0], $0xffff  }
0xe9: {  	v28 =	vor.u32 $0x80, v2;
	v13 =	vld.idx.msk [tilespmem:v2+s16+$0x0], $0xffff  }
0xea: {  	v31 =	vor.u32 $0x180, v2;
	v12 =	vld.idx.msk [tilespmem:v12+s16+$0x0], $0xffff  }
0xeb: {  	v30 =	vor.u32 $0x100, v4;
	v25 =	vld.idx.msk [tilespmem:v0+s16+$0x0], $0xffff  }
0xec: {  	v32 =	vor.u32 $0x200, v2;
	v14 =	vld.idx.msk [tilespmem:v14+s16+$0x0], $0xffff  }
0xed: {  	v23 =	vor.u32 $0x180, v8;
	v26 =	vld.idx.msk [tilespmem:v26+s16+$0x0], $0xffff  }
0xee: {  	v51 =	vor.u32 $0x180, v5;
	v28 =	vld.idx.msk [tilespmem:v28+s16+$0x0], $0xffff;
	v1 =	vadd.f32 v1, v7;
	v7 =	vadd.f32 v13, v15  }
0xef: {  	v52 =	vld.idx.msk [tilespmem:v31+s16+$0x0], $0xffff;
	v3 =	vor.u32 $0x380, v3;
	v12 =	vadd.f32 v12, v21  }
0xf0: {  	v13 =	vld.idx.msk [tilespmem:v30+s16+$0x0], $0xffff;
	v15 =	vor.u32 $0x300, v8;
	v7 =	vadd.f32 v1, v7;
	v55 =	vadd.f32 v25, v27  }
0xf1: {  	v36 =	vor.u32 $0x80, v4;
	v58 =	vor.u32 $0x380, v2;
	v53 =	vld.idx.msk [tilespmem:v32+s16+$0x0], $0xffff;
	v1 =	vadd.f32 v6, v11  }
0xf2: {  	v5 =	vor.u32 $0x380, v5;
	v0 =	vld.idx.msk [tilespmem:v23+s16+$0x0], $0xffff;
	v11 =	vadd.f32 v7, v33;
	v2 =	vadd.f32 v55, v12  }
0xf3: {  	v54 =	vor.u32 $0x200, v8;
	v59 =	vor.u32 $0x80, v8;
	v16 =	vadd.f32 v16, v17;
	v23 =	vld.idx.msk [tilespmem:v51+s16+$0x0], $0xffff  }
0xf4: {  	v3 =	vld.idx.msk [tilespmem:v3+s16+$0x0], $0xffff;
	v61 =	vadd.f32 v2, v22;
	v2 =	vor.u32 $0x380, v8;
	v8 =	vmul.f32 $1.442695020e+00, v11  }
0xf5: {  	v60 =	vor.u32 $0x380, v4;
	v6 =	vadd.f32 v48, v24;
	v15 =	vld.idx.msk [tilespmem:v15+s16+$0x0], $0xffff;
	v4 =	vadd.f32 v26, v13  }
0xf6: {  	v10 =	vadd.f32 v29, v10;
	v12 =	vld.idx.msk [tilespmem:v36+s16+$0x0], $0xffff;
	v62 =	vmul.f32 $1.442695020e+00, v61;
	(erf) = vpow2.f32 v8  }
0xf7: {  	v14 =	vadd.f32 v14, v18;
	v13 =	vadd.f32 v6, v4;
	v4 =	vld.idx.msk [tilespmem:v5+s16+$0x0], $0xffff  }
0xf8: {  	v63 =	vadd.f32 v53, v57;
	v7 =	vadd.f32 v9, v23;
	v9 =	vld.idx.msk [tilespmem:v54+s16+$0x0], $0xffff;
	(erf) = vpow2.f32 v62  }
0xf9: {  	s31 =	sand.u32 $0x7, s24;
	v14 =	vadd.f32 v16, v14;
	v6 =	vld.idx.msk [tilespmem:v58+s16+$0x0], $0xffff;
	v5 =	vadd.f32 v13, v19  }
0xfa: {  	s25 =	sshll.u32 s31, $0x4;
	v13 =	vadd.f32 v10, v63;
	v10 =	vld.idx.msk [tilespmem:v60+s16+$0x0], $0xffff;
	v11 =	vadd.f32 v52, v56  }
0xfb: {  	s26 =	simm.s32 $0x10;
	s28 =	simm.s32 $0x0;
	s25 =	sadd.s32 $0x0, s25;
	v14 =	vadd.f32 v14, v15;
	v8 =	vld.idx.msk [tilespmem:v59+s16+$0x0], $0xffff;
	v12 =	vadd.f32 v28, v12  }
.LBB2_4:
0xfc: {  	p0 =	sne.s32 s26, $0xFF0;
	v7 =	vadd.f32 v7, v11;
	s24 =	sadd.s32 $0x80, s24;
	s28 =	sadd.s32 $0x1, s28  }
0xfd: {  	s30 =	smov.u32 s26;
	s26 =	sadd.s32 $0x10, s26;
	s29 =	sand.u32 $0x7, s28;
	v13 =	vadd.f32 v13, v9;
	v11 =	vmul.f32 $1.442695020e+00, v14  }
0xfe: {  	v1 =	vadd.f32 v1, v12;
	s29 =	sshll.u32 s29, $0x4;
	v0 =	vadd.f32 v7, v0  }
0xff: {  	s29 =	sadd.s32 s29, s24;
	v7 =	vmul.f32 $1.442695020e+00, v13;
	v2 =	vld.idx.msk [tilespmem:v2+s16+$0x0], $0xffff;
	v9 =	vpop (erf);
	(erf) = vpow2.f32 v11  }
0x100: {  	v1 =	vadd.f32 v1, v8;
	v9 =	vadd.f32 $1.000000000e+00, v9;
	v0 =	vmul.f32 $1.442695020e+00, v0  }
0x101: {  	v3 =	vadd.f32 v3, v4;
	v6 =	vadd.f32 v6, v10;
	(erf) = vpow2.f32 v7;
	v4 =	vpop (erf)  }
0x102: {  	v1 =	vmul.f32 $1.442695020e+00, v1;
	v4 =	vadd.f32 $1.000000000e+00, v4;
	(erf) = vrcp.f32 v9  }
0x103: {  	v5 =	vmul.f32 $1.442695020e+00, v5;
	v3 =	vadd.f32 v3, v6;
	(erf) = vpow2.f32 v0  }
0x104: {  	(erf) = vpow2.f32 v1  }
0x105: {  	v0 =	vadd.f32 v3, v2;
	(erf) = vpow2.f32 v5;
	_ =	sdelay $0x1  }
0x106: {  	v2 =	vmul.f32 $1.442695020e+00, v0  }
0x107: {  	v1 =	vpop (erf)  }
0x108: {  	v1 =	vadd.f32 $1.000000000e+00, v1;
	(erf) = vpow2.f32 v2  }
0x109: {  	v0 =	vpop (erf)  }
0x10a: {  	v5 =	vadd.f32 $1.000000000e+00, v0;
	v2 =	vpop (erf)  }
0x10b: {  	[tilespmem:s23+$0x14000] =	vst v2;
	v2 =	vpop (erf)  }
0x10c: {  	v2 =	vadd.f32 $1.000000000e+00, v2;
	v3 =	vpop (erf);
	(erf) = vrcp.f32 v5  }
0x10d: {  	v0 =	vpop (erf)  }
0x10e: {  	v3 =	vadd.f32 $1.000000000e+00, v3;
	v5 =	vadd.f32 $1.000000000e+00, v0;
	(erf) = vrcp.f32 v2  }
0x10f: {  	(erf) = vrcp.f32 v4  }
0x110: {  	(erf) = vrcp.f32 v5  }
0x111: {  	(erf) = vrcp.f32 v3;
	v0 =	vpop (erf)  }
0x112: {  	v2 =	vadd.f32 $1.000000000e+00, v0;
	(erf) = vrcp.f32 v1;
	_ =	sdelay $0x1  }
0x113: {  	(erf) = vrcp.f32 v2  }
0x114: {  	v0 =	vpop (erf)  }
0x115: {  	[tilespmem:s23+$0x14200] =	vst v0  }
0x116: {  	v0 =	vpop (erf)  }
0x117: {  	[tilespmem:s23+$0x14180] =	vst v0;
	v0 =	vpop (erf)  }
0x118: {  	v1 =	vpop (erf)  }
0x119: {  	[tilespmem:s23+$0x14100] =	vst v1;
	v1 =	vpop (erf)  }
0x11a: {  	[tilespmem:s23+$0x14080] =	vst v1;
	s23 =	sadd.s32 $0x14000, s23;
	v1 =	vpop (erf)  }
0x11b: {  	[tilespmem:s23+$0x280] =	vst v0  }
0x11c: {  	s25 =	sor.u32 $0x380, s25;
	s30 =	sand.u32 $0x70, s30;
	s31 =	sand.u32 $0x7C00, s24;
	[tilespmem:s23+$0x300] =	vst v1;
	v0 =	vpop (erf)  }
0x11d: {  	s23 =	sor.u32 s30, s31;
	[tilespmem:s25+$0x14000] =	vst v0;
	s25 =	smov.u32 s29  }
0x11e: {  	v0 =	vld [tilespmem:s23+$0x180]  }
0x11f: {  	v1 =	vld [tilespmem:s23+$0x100]  }
0x120: {  	v2 =	vld [tilespmem:s23+$0x80]  }
0x121: {  	v3 =	vld [tilespmem:s23+$0x0];
	_ =	sdelay $0x1  }
0x122: {  	v4 =	vand.u32 $0x7F, v0;
	v0 =	vshll.u32 v0, $0x3  }
0x123: {  	v5 =	vand.u32 $0x7F, v1;
	v1 =	vshll.u32 v1, $0x3;
	v0 =	vand.u32 $0xFFFFFC00, v0  }
0x124: {  	v6 =	vshll.u32 v2, $0x3;
	v1 =	vand.u32 $0xFFFFFC00, v1;
	v0 =	vor.u32 v4, v0  }
0x125: {  	v2 =	vand.u32 $0x7F, v2;
	v4 =	vor.u32 v5, v1;
	v1 =	vor.u32 $0x80, v0  }
0x126: {  	v5 =	vand.u32 $0x7F, v3;
	v7 =	vor.u32 $0x80, v4;
	v8 =	vor.u32 $0x100, v4  }
0x127: {  	v3 =	vshll.u32 v3, $0x3;
	v9 =	vor.u32 $0x180, v4;
	v10 =	vor.u32 $0x200, v4  }
0x128: {  	v6 =	vand.u32 $0xFFFFFC00, v6;
	v12 =	vor.u32 $0x100, v0;
	v13 =	vor.u32 $0x180, v0;
	v11 =	vld [tilespmem:s23+$0x200]  }
0x129: {  	v3 =	vand.u32 $0xFFFFFC00, v3;
	v2 =	vor.u32 v2, v6;
	v14 =	vor.u32 $0x280, v4;
	v6 =	vld.idx.msk [tilespmem:v0+s16+$0x0], $0xffff  }
0x12a: {  	v3 =	vor.u32 v5, v3;
	v15 =	vor.u32 $0x100, v2;
	v16 =	vor.u32 $0x180, v2;
	v5 =	vld.idx.msk [tilespmem:v4+s16+$0x0], $0xffff  }
0x12b: {  	v17 =	vor.u32 $0x80, v3;
	v18 =	vor.u32 $0x100, v3;
	v19 =	vor.u32 $0x180, v3;
	v7 =	vld.idx.msk [tilespmem:v7+s16+$0x0], $0xffff  }
0x12c: {  	v20 =	vor.u32 $0x80, v2;
	v22 =	vor.u32 $0x200, v2;
	v21 =	vor.u32 $0x200, v3;
	v1 =	vld.idx.msk [tilespmem:v1+s16+$0x0], $0xffff  }
0x12d: {  	v23 =	vor.u32 $0x200, v0;
	v25 =	vor.u32 $0x280, v2;
	v24 =	vor.u32 $0x280, v3;
	v13 =	vld.idx.msk [tilespmem:v13+s16+$0x0], $0xffff  }
0x12e: {  	v27 =	vor.u32 $0x280, v0;
	v29 =	vor.u32 $0x300, v2;
	v28 =	vor.u32 $0x300, v3;
	v26 =	vld.idx.msk [tilespmem:v2+s16+$0x0], $0xffff  }
0x12f: {  	v33 =	vor.u32 $0x300, v0;
	v32 =	vor.u32 $0x300, v4;
	v31 =	vshll.u32 v11, $0x3;
	v30 =	vld.idx.msk [tilespmem:v3+s16+$0x0], $0xffff  }
0x130: {  	v11 =	vand.u32 $0x7F, v11;
	v31 =	vand.u32 $0xFFFFFC00, v31;
	v5 =	vadd.f32 v6, v5;
	v6 =	vld.idx.msk [tilespmem:v10+s16+$0x0], $0xffff  }
0x131: {  	v10 =	vor.u32 v11, v31;
	v31 =	vor.u32 $0x380, v3;
	v11 =	vld.idx.msk [tilespmem:v12+s16+$0x0], $0xffff;
	v12 =	vor.u32 $0x380, v2  }
0x132: {  	v1 =	vadd.f32 v1, v7;
	v34 =	vor.u32 $0x200, v10;
	v7 =	vor.u32 $0x280, v10;
	v3 =	vld.idx.msk [tilespmem:v25+s16+$0x0], $0xffff  }
0x133: {  	v35 =	vor.u32 $0x100, v10;
	v36 =	vor.u32 $0x180, v10;
	v25 =	vor.u32 $0x80, v10;
	v29 =	vld.idx.msk [tilespmem:v29+s16+$0x0], $0xffff  }
0x134: {  	v37 =	vor.u32 $0x380, v0;
	v4 =	vor.u32 $0x380, v4;
	v2 =	vor.u32 $0x380, v10;
	v33 =	vld.idx.msk [tilespmem:v33+s16+$0x0], $0xffff  }
0x135: {  	v32 =	vld.idx.msk [tilespmem:v32+s16+$0x0], $0xffff  }
0x136: {  	v28 =	vld.idx.msk [tilespmem:v28+s16+$0x0], $0xffff  }
0x137: {  	v27 =	vld.idx.msk [tilespmem:v27+s16+$0x0], $0xffff  }
0x138: {  	v24 =	vld.idx.msk [tilespmem:v24+s16+$0x0], $0xffff  }
0x139: {  	v35 =	vld.idx.msk [tilespmem:v35+s16+$0x0], $0xffff  }
0x13a: {  	v7 =	vld.idx.msk [tilespmem:v7+s16+$0x0], $0xffff  }
0x13b: {  	v0 =	vld.idx.msk [tilespmem:v36+s16+$0x0], $0xffff  }
0x13c: {  	v8 =	vld.idx.msk [tilespmem:v8+s16+$0x0], $0xffff  }
0x13d: {  	v15 =	vld.idx.msk [tilespmem:v15+s16+$0x0], $0xffff  }
0x13e: {  	v14 =	vld.idx.msk [tilespmem:v14+s16+$0x0], $0xffff  }
0x13f: {  	v20 =	vld.idx.msk [tilespmem:v20+s16+$0x0], $0xffff  }
0x140: {  	v36 =	vld.idx.msk [tilespmem:v10+s16+$0x0], $0xffff;
	v10 =	vor.u32 $0x300, v10  }
0x141: {  	v26 =	vadd.f32 v26, v30;
	v9 =	vld.idx.msk [tilespmem:v9+s16+$0x0], $0xffff  }
0x142: {  	v8 =	vadd.f32 v11, v8;
	v11 =	vld.idx.msk [tilespmem:v23+s16+$0x0], $0xffff  }
0x143: {  	v5 =	vadd.f32 v5, v26;
	v18 =	vld.idx.msk [tilespmem:v18+s16+$0x0], $0xffff  }
0x144: {  	v3 =	vadd.f32 v3, v24;
	v14 =	vadd.f32 v27, v14;
	v16 =	vld.idx.msk [tilespmem:v16+s16+$0x0], $0xffff  }
0x145: {  	v22 =	vld.idx.msk [tilespmem:v22+s16+$0x0], $0xffff  }
0x146: {  	v5 =	vadd.f32 v5, v36;
	v3 =	vadd.f32 v14, v3;
	v19 =	vld.idx.msk [tilespmem:v19+s16+$0x0], $0xffff  }
0x147: {  	v23 =	vadd.f32 v33, v32;
	v14 =	vld.idx.msk [tilespmem:v21+s16+$0x0], $0xffff;
	v21 =	vadd.f32 v29, v28  }
0x148: {  	v5 =	vmul.f32 $1.442695020e+00, v5;
	v3 =	vadd.f32 v3, v7;
	v17 =	vld.idx.msk [tilespmem:v17+s16+$0x0], $0xffff  }
0x149: {  	v7 =	vadd.f32 v13, v9;
	v10 =	vld.idx.msk [tilespmem:v10+s16+$0x0], $0xffff;
	v21 =	vadd.f32 v23, v21  }
0x14a: {  	v13 =	vadd.f32 v15, v18;
	v15 =	vmul.f32 $1.442695020e+00, v3;
	v3 =	vld.idx.msk [tilespmem:v37+s16+$0x0], $0xffff;
	(erf) = vpow2.f32 v5  }
.Ltmp1:
0x14b: {  	v18 =	vadd.f32 v11, v6;
	v9 =	vld.idx.msk [tilespmem:v34+s16+$0x0], $0xffff;
	(pc) =	sbr.rel @p0 .LBB2_4-.Ltmp1, $4  }
0x14c: {  	v5 =	vadd.f32 v8, v13;
	v11 =	vadd.f32 v16, v19;
	v4 =	vld.idx.msk [tilespmem:v4+s16+$0x0], $0xffff;
	(erf) = vpow2.f32 v15  }
0x14d: {  	v13 =	vadd.f32 v22, v14;
	v6 =	vld.idx.msk [tilespmem:v12+s16+$0x0], $0xffff  }
0x14e: {  	v5 =	vadd.f32 v5, v35;
	v12 =	vadd.f32 v20, v17;
	v8 =	vld.idx.msk [tilespmem:v25+s16+$0x0], $0xffff  }
0x14f: {  	v13 =	vadd.f32 v18, v13;
	v14 =	vadd.f32 v21, v10;
	v10 =	vld.idx.msk [tilespmem:v31+s16+$0x0], $0xffff  }
0x150: {  	_ = 	snop  }
0x151: {  	v9 =	vadd.f32 v13, v9  }
0x152: {  	v7 =	vadd.f32 v7, v11  }
0x153: {  	v11 =	vmul.f32 $1.442695020e+00, v14  }
0x154: {  	v1 =	vadd.f32 v1, v12;
	v2 =	vld.idx.msk [tilespmem:v2+s16+$0x0], $0xffff;
	v0 =	vadd.f32 v7, v0;
	v7 =	vmul.f32 $1.442695020e+00, v9  }
0x155: {  	v3 =	vadd.f32 v3, v4;
	v6 =	vadd.f32 v6, v10;
	v9 =	vpop (erf);
	(erf) = vpow2.f32 v11  }
0x156: {  	v1 =	vadd.f32 v1, v8;
	v9 =	vadd.f32 $1.000000000e+00, v9;
	(erf) = vpow2.f32 v7  }
0x157: {  	v0 =	vmul.f32 $1.442695020e+00, v0;
	v3 =	vadd.f32 v3, v6  }
0x158: {  	v1 =	vmul.f32 $1.442695020e+00, v1;
	(erf) = vrcp.f32 v9  }
0x159: {  	v4 =	vmul.f32 $1.442695020e+00, v5;
	(erf) = vpow2.f32 v0;
	v0 =	vadd.f32 v3, v2  }
0x15a: {  	(erf) = vpow2.f32 v1  }
0x15b: {  	(erf) = vpow2.f32 v4;
	v0 =	vmul.f32 $1.442695020e+00, v0;
	_ =	sdelay $0x1  }
0x15c: {  	v1 =	vpop (erf)  }
0x15d: {  	v2 =	vpop (erf)  }
0x15e: {  	(erf) = vpow2.f32 v0;
	v0 =	vpop (erf)  }
0x15f: {  	v0 =	vadd.f32 $1.000000000e+00, v0  }
0x160: {  	v3 =	vpop (erf)  }
0x161: {  	v4 =	vpop (erf)  }
0x162: {  	v4 =	vadd.f32 $1.000000000e+00, v4;
	v5 =	vpop (erf)  }
0x163: {  	v1 =	vadd.f32 $1.000000000e+00, v1;
	(erf) = vrcp.f32 v0;
	v0 =	vpop (erf)  }
0x164: {  	v0 =	vadd.f32 $1.000000000e+00, v0;
	(erf) = vrcp.f32 v4  }
0x165: {  	v4 =	vadd.f32 $1.000000000e+00, v5;
	(erf) = vrcp.f32 v1  }
0x166: {  	(erf) = vrcp.f32 v0  }
0x167: {  	v1 =	vpop (erf);
	v0 =	vadd.f32 $1.000000000e+00, v2;
	(erf) = vrcp.f32 v4  }
0x168: {  	v1 =	vadd.f32 $1.000000000e+00, v1  }
0x169: {  	(erf) = vrcp.f32 v0  }
0x16a: {  	(erf) = vrcp.f32 v1;
	_ =	sdelay $0x1  }
0x16b: {  	v0 =	vpop (erf)  }
0x16c: {  	[tilespmem:s23+$0x14000] =	vst v3;
	v1 =	vpop (erf)  }
0x16d: {  	[tilespmem:s23+$0x14200] =	vst v0;
	v0 =	vpop (erf)  }
0x16e: {  	[tilespmem:s23+$0x14180] =	vst v1;
	v1 =	vpop (erf)  }
0x16f: {  	[tilespmem:s23+$0x14100] =	vst v1;
	v1 =	vpop (erf)  }
0x170: {  	s24 =	sadd.s32 $0x14000, s23;
	[tilespmem:s23+$0x14080] =	vst v1  }
0x171: {  	v1 =	vpop (erf);
	[tilespmem:s24+$0x280] =	vst v0  }
0x172: {  	s26 =	sor.u32 $0x380, s25;
	[tilespmem:s24+$0x300] =	vst v1;
	v0 =	vpop (erf)  }
0x173: {  	s24 =	simm.s32 $0x0;
	[tilespmem:s26+$0x14000] =	vst v0  }
0x174: {  	[hbm4b:s8+s24] =	stream.linear.scatter [tilespmem:s19], [sflag:$0x5], $0x8000, $0x38;
	[tilespmem:$0x1C000] =	vst v63  }
0x175: {  	_ =	swait.ge [sflag:s15], $0x2000  }
0x176: {  	[sflag:s15] =	ssyncset.done $0x0  }
0x177: {  	[sflag:s15] =	ssyncadd.s32 $0xFFFFE000  }
0x178: {  	[tilespmem:s16], [sflag:$0x3] =	stream.linear.gather [hbm4b:s9+s24], $0x2000, $0x38;
	[tilespmem:$0x1C000] =	vst v63  }
0x179: {  	_ =	swait.ge [sflag:s20], $0x8000  }
0x17a: {  	s29 =	sand.u32 $0x70, s24;
	s30 =	sand.u32 $0x7C00, s24;
	[sflag:s20] =	ssyncset.done $0x0  }
0x17b: {  	s23 =	sor.u32 s29, s30;
	[sflag:s20] =	ssyncadd.s32 $0xFFFF8000  }
0x17c: {  	v0 =	vld [tilespmem:s23+$0x180]  }
0x17d: {  	v1 =	vld [tilespmem:s23+$0x100];
	_ =	sdelay $0x3  }
0x17e: {  	v3 =	vshll.u32 v0, $0x3  }
0x17f: {  	v0 =	vand.u32 $0x7F, v0;
	v4 =	vshll.u32 v1, $0x3;
	v3 =	vand.u32 $0xFFFFFC00, v3  }
0x180: {  	v7 =	vld [tilespmem:s23+$0x200];
	v1 =	vand.u32 $0x7F, v1;
	v4 =	vand.u32 $0xFFFFFC00, v4;
	v0 =	vor.u32 v0, v3  }
0x181: {  	v1 =	vor.u32 v1, v4  }
0x182: {  	v2 =	vld [tilespmem:s23+$0x0];
	v5 =	vor.u32 $0x80, v1  }
0x183: {  	v6 =	vor.u32 $0x100, v0  }
0x184: {  	v3 =	vld [tilespmem:s23+$0x80];
	v11 =	vor.u32 $0x180, v1  }
0x185: {  	v16 =	vshll.u32 v7, $0x3;
	v14 =	vor.u32 $0x200, v0;
	v9 =	vld.idx.msk [tilespmem:v0+s13+$0x0], $0xffff  }
0x186: {  	v7 =	vand.u32 $0x7F, v7;
	v16 =	vand.u32 $0xFFFFFC00, v16;
	v18 =	vor.u32 $0x380, v0;
	v10 =	vld.idx.msk [tilespmem:v1+s13+$0x0], $0xffff  }
0x187: {  	v4 =	vshll.u32 v2, $0x3;
	v19 =	vor.u32 v7, v16;
	v20 =	vor.u32 $0x300, v1;
	v13 =	vld.idx.msk [tilespmem:v5+s13+$0x0], $0xffff  }
0x188: {  	v2 =	vand.u32 $0x7F, v2;
	v4 =	vand.u32 $0xFFFFFC00, v4;
	v25 =	vor.u32 $0x380, v19;
	v6 =	vld.idx.msk [tilespmem:v6+s13+$0x0], $0xffff  }
0x189: {  	v8 =	vor.u32 v2, v4;
	v11 =	vld.idx.msk [tilespmem:v11+s13+$0x0], $0xffff  }
0x18a: {  	v2 =	vor.u32 $0x80, v0;
	v14 =	vld.idx.msk [tilespmem:v14+s13+$0x0], $0xffff  }
0x18b: {  	v4 =	vor.u32 $0x200, v1;
	v18 =	vld.idx.msk [tilespmem:v18+s13+$0x0], $0xffff  }
0x18c: {  	v26 =	vor.u32 $0x380, v8;
	v12 =	vshll.u32 v3, $0x3;
	v20 =	vld.idx.msk [tilespmem:v20+s13+$0x0], $0xffff  }
0x18d: {  	v28 =	vor.u32 $0x200, v8;
	v3 =	vand.u32 $0x7F, v3;
	v12 =	vand.u32 $0xFFFFFC00, v12;
	v25 =	vld.idx.msk [tilespmem:v25+s13+$0x0], $0xffff  }
0x18e: {  	v30 =	vor.u32 $0x80, v8;
	v3 =	vor.u32 v3, v12;
	v12 =	vld.idx.msk [tilespmem:v8+s13+$0x0], $0xffff  }
0x18f: {  	v36 =	vor.u32 $0x280, v8;
	v15 =	vld.idx.msk [tilespmem:v2+s13+$0x0], $0xffff  }
0x190: {  	v5 =	vor.u32 $0x280, v0;
	v17 =	vld.idx.msk [tilespmem:v4+s13+$0x0], $0xffff  }
0x191: {  	v26 =	vld.idx.msk [tilespmem:v26+s13+$0x0], $0xffff  }
0x192: {  	v2 =	vor.u32 $0x280, v1;
	v28 =	vld.idx.msk [tilespmem:v28+s13+$0x0], $0xffff  }
0x193: {  	v4 =	vor.u32 $0x180, v0;
	v30 =	vld.idx.msk [tilespmem:v30+s13+$0x0], $0xffff  }
0x194: {  	v38 =	vadd.f32 v9, v10;
	v9 =	vld.idx.msk [tilespmem:v36+s13+$0x0], $0xffff  }
0x195: {  	v7 =	vld.idx.msk [tilespmem:v5+s13+$0x0], $0xffff;
	v5 =	vor.u32 $0x380, v3  }
0x196: {  	v22 =	vor.u32 $0x200, v19;
	v16 =	vld.idx.msk [tilespmem:v3+s13+$0x0], $0xffff  }
0x197: {  	v0 =	vor.u32 $0x300, v0;
	v21 =	vld.idx.msk [tilespmem:v2+s13+$0x0], $0xffff  }
0x198: {  	v35 =	vor.u32 $0x100, v3;
	v23 =	vld.idx.msk [tilespmem:v4+s13+$0x0], $0xffff  }
0x199: {  	v4 =	vor.u32 $0x380, v1;
	v2 =	vld.idx.msk [tilespmem:v19+s13+$0x0], $0xffff;
	v1 =	vor.u32 $0x100, v1  }
0x19a: {  	v24 =	vld.idx.msk [tilespmem:v5+s13+$0x0], $0xffff  }
0x19b: {  	v5 =	vld.idx.msk [tilespmem:v22+s13+$0x0], $0xffff;
	v22 =	vor.u32 $0x280, v3  }
0x19c: {  	v29 =	vld.idx.msk [tilespmem:v0+s13+$0x0], $0xffff;
	v0 =	vor.u32 $0x100, v8  }
0x19d: {  	v33 =	vor.u32 $0x80, v3;
	v61 =	vld.idx.msk [tilespmem:v35+s13+$0x0], $0xffff  }
0x19e: {  	v32 =	vld.idx.msk [tilespmem:v1+s13+$0x0], $0xffff;
	v1 =	vor.u32 $0x200, v3  }
0x19f: {  	v31 =	vor.u32 $0x300, v8;
	v27 =	vld.idx.msk [tilespmem:v4+s13+$0x0], $0xffff  }
0x1a0: {  	v4 =	vld.idx.msk [tilespmem:v22+s13+$0x0], $0xffff;
	v22 =	vor.u32 $0x180, v8  }
0x1a1: {  	v59 =	vor.u32 $0x180, v3;
	v34 =	vld.idx.msk [tilespmem:v0+s13+$0x0], $0xffff;
	v3 =	vor.u32 $0x300, v3  }
0x1a2: {  	v0 =	vadd.f32 v15, v13;
	v15 =	vld.idx.msk [tilespmem:v33+s13+$0x0], $0xffff  }
0x1a3: {  	v60 =	vor.u32 $0x100, v19;
	v12 =	vadd.f32 v16, v12;
	v37 =	vld.idx.msk [tilespmem:v1+s13+$0x0], $0xffff  }
0x1a4: {  	v62 =	vor.u32 $0x300, v19;
	v8 =	vld.idx.msk [tilespmem:v31+s13+$0x0], $0xffff;
	v13 =	vadd.f32 v18, v27;
	v18 =	vadd.f32 v24, v26  }
0x1a5: {  	v1 =	vadd.f32 v7, v21;
	v7 =	vadd.f32 v23, v11;
	v10 =	vld.idx.msk [tilespmem:v22+s13+$0x0], $0xffff;
	v22 =	vor.u32 $0x180, v19  }
0x1a6: {  	v11 =	vadd.f32 v6, v32;
	v16 =	vld.idx.msk [tilespmem:v3+s13+$0x0], $0xffff;
	v6 =	vadd.f32 v13, v18  }
0x1a7: {  	v23 =	vadd.f32 v14, v17;
	v14 =	vadd.f32 v29, v20;
	v18 =	vld.idx.msk [tilespmem:v59+s13+$0x0], $0xffff  }
0x1a8: {  	s31 =	sand.u32 $0x7, s24;
	v3 =	vor.u32 $0x80, v19;
	v17 =	vld.idx.msk [tilespmem:v60+s13+$0x0], $0xffff;
	v25 =	vadd.f32 v6, v25;
	v63 =	vadd.f32 v37, v28  }
0x1a9: {  	s25 =	sshll.u32 s31, $0x4;
	v21 =	vadd.f32 v38, v12;
	v12 =	vadd.f32 v15, v30;
	v15 =	vld.idx.msk [tilespmem:v62+s13+$0x0], $0xffff;
	v6 =	vor.u32 $0x280, v19  }
0x1aa: {  	s28 =	simm.s32 $0x0;
	s26 =	simm.s32 $0x10;
	s25 =	sadd.s32 $0x0, s25;
	v20 =	vadd.f32 v61, v34;
	v19 =	vmul.f32 $1.442695020e+00, v25;
	v13 =	vld.idx.msk [tilespmem:v22+s13+$0x0], $0xffff;
	v22 =	vadd.f32 v23, v63  }
.LBB2_6:
0x1ab: {  	p0 =	sne.s32 s26, $0xFF0;
	v2 =	vadd.f32 v21, v2;
	s24 =	sadd.s32 $0x80, s24;
	s28 =	sadd.s32 $0x1, s28  }
0x1ac: {  	v10 =	vadd.f32 v18, v10;
	s29 =	smov.u32 s26;
	s26 =	sadd.s32 $0x10, s26;
	s30 =	sand.u32 $0x7, s28;
	v5 =	vadd.f32 v22, v5  }
0x1ad: {  	v11 =	vadd.f32 v11, v20;
	v8 =	vadd.f32 v16, v8;
	s30 =	sshll.u32 s30, $0x4;
	v2 =	vmul.f32 $1.442695020e+00, v2  }
0x1ae: {  	v7 =	vadd.f32 v7, v10;
	s30 =	sadd.s32 s30, s24;
	v5 =	vmul.f32 $1.442695020e+00, v5;
	v6 =	vld.idx.msk [tilespmem:v6+s13+$0x0], $0xffff;
	(erf) = vpow2.f32 v19  }
0x1af: {  	v10 =	vadd.f32 v11, v17;
	v8 =	vadd.f32 v14, v8;
	v3 =	vld.idx.msk [tilespmem:v3+s13+$0x0], $0xffff  }
0x1b0: {  	v4 =	vadd.f32 v4, v9;
	v7 =	vadd.f32 v7, v13;
	(erf) = vpow2.f32 v5  }
0x1b1: {  	v5 =	vmul.f32 $1.442695020e+00, v10;
	v8 =	vadd.f32 v8, v15  }
0x1b2: {  	v1 =	vadd.f32 v1, v4;
	v7 =	vmul.f32 $1.442695020e+00, v7  }
0x1b3: {  	v0 =	vadd.f32 v0, v12;
	v4 =	vmul.f32 $1.442695020e+00, v8;
	(erf) = vpow2.f32 v5  }
0x1b4: {  	v1 =	vadd.f32 v1, v6;
	(erf) = vpow2.f32 v7  }
0x1b5: {  	v0 =	vadd.f32 v0, v3;
	(erf) = vpow2.f32 v2  }
0x1b6: {  	v1 =	vmul.f32 $1.442695020e+00, v1;
	(erf) = vpow2.f32 v4  }
0x1b7: {  	v3 =	vmul.f32 $1.442695020e+00, v0;
	v2 =	vpop (erf)  }
0x1b8: {  	v2 =	vadd.f32 $1.000000000e+00, v2;
	(erf) = vpow2.f32 v1  }
0x1b9: {  	(erf) = vpow2.f32 v3;
	v0 =	vpop (erf)  }
0x1ba: {  	v0 =	vadd.f32 $1.000000000e+00, v0;
	(erf) = vrcp.f32 v2;
	_ =	sdelay $0x1  }
0x1bb: {  	v1 =	vpop (erf);
	(erf) = vrcp.f32 v0  }
0x1bc: {  	v3 =	vadd.f32 $1.000000000e+00, v1;
	v1 =	vpop (erf)  }
0x1bd: {  	v4 =	vadd.f32 $1.000000000e+00, v1;
	v2 =	vpop (erf)  }
0x1be: {  	v5 =	vadd.f32 $1.000000000e+00, v2;
	(erf) = vrcp.f32 v3;
	v0 =	vpop (erf)  }
0x1bf: {  	v0 =	vadd.f32 $1.000000000e+00, v0;
	(erf) = vrcp.f32 v4  }
0x1c0: {  	(erf) = vrcp.f32 v5;
	v1 =	vpop (erf)  }
0x1c1: {  	v1 =	vadd.f32 $1.000000000e+00, v1;
	v2 =	vpop (erf);
	(erf) = vrcp.f32 v0  }
0x1c2: {  	v3 =	vadd.f32 $1.000000000e+00, v2;
	v2 =	vpop (erf)  }
0x1c3: {  	(erf) = vrcp.f32 v1  }
0x1c4: {  	(erf) = vrcp.f32 v3;
	v0 =	vpop (erf)  }
0x1c5: {  	[tilespmem:s23+$0xC200] =	vst v0;
	_ =	sdelay $0x1  }
0x1c6: {  	v0 =	vpop (erf)  }
0x1c7: {  	[tilespmem:s23+$0xC100] =	vst v0;
	v0 =	vpop (erf)  }
0x1c8: {  	[tilespmem:s23+$0xC180] =	vst v0;
	v0 =	vpop (erf)  }
0x1c9: {  	[tilespmem:s23+$0xC000] =	vst v0;
	v0 =	vpop (erf)  }
0x1ca: {  	[tilespmem:s23+$0xC300] =	vst v0  }
0x1cb: {  	v0 =	vpop (erf)  }
0x1cc: {  	[tilespmem:s23+$0xC280] =	vst v0;
	v0 =	vpop (erf)  }
0x1cd: {  	s25 =	sor.u32 $0x380, s25;
	s29 =	sand.u32 $0x70, s29;
	s31 =	sand.u32 $0x7C00, s24;
	[tilespmem:s23+$0xC080] =	vst v0  }
0x1ce: {  	s23 =	sor.u32 s29, s31;
	[tilespmem:s25+$0xC000] =	vst v2;
	s25 =	smov.u32 s30  }
0x1cf: {  	v0 =	vld [tilespmem:s23+$0x180]  }
0x1d0: {  	v1 =	vld [tilespmem:s23+$0x100]  }
0x1d1: {  	v2 =	vld [tilespmem:s23+$0x0];
	_ =	sdelay $0x2  }
0x1d2: {  	v3 =	vand.u32 $0x7F, v0;
	v0 =	vshll.u32 v0, $0x3  }
0x1d3: {  	v4 =	vld [tilespmem:s23+$0x80];
	v5 =	vand.u32 $0x7F, v1;
	v1 =	vshll.u32 v1, $0x3;
	v0 =	vand.u32 $0xFFFFFC00, v0  }
0x1d4: {  	v6 =	vand.u32 $0x7F, v2;
	v1 =	vand.u32 $0xFFFFFC00, v1;
	v7 =	vor.u32 v3, v0  }
0x1d5: {  	v0 =	vshll.u32 v2, $0x3;
	v1 =	vor.u32 v5, v1;
	v2 =	vor.u32 $0x80, v7  }
0x1d6: {  	v0 =	vand.u32 $0xFFFFFC00, v0;
	v3 =	vor.u32 $0x80, v1;
	v8 =	vor.u32 $0x100, v1  }
0x1d7: {  	v5 =	vor.u32 $0x100, v7;
	v9 =	vor.u32 $0x180, v1;
	v10 =	vor.u32 $0x200, v1  }
0x1d8: {  	v12 =	vor.u32 $0x280, v7;
	v0 =	vor.u32 v6, v0;
	v6 =	vor.u32 $0x280, v1;
	v11 =	vld [tilespmem:s23+$0x200]  }
0x1d9: {  	v15 =	vor.u32 $0x80, v0;
	v16 =	vor.u32 $0x100, v0;
	v13 =	vshll.u32 v4, $0x3;
	v14 =	vld.idx.msk [tilespmem:v7+s13+$0x0], $0xffff  }
0x1da: {  	v18 =	vor.u32 $0x180, v0;
	v19 =	vor.u32 $0x200, v0;
	v4 =	vand.u32 $0x7F, v4;
	v17 =	vld.idx.msk [tilespmem:v1+s13+$0x0], $0xffff  }
0x1db: {  	v21 =	vor.u32 $0x280, v0;
	v22 =	vor.u32 $0x300, v0;
	v13 =	vand.u32 $0xFFFFFC00, v13;
	v20 =	vld.idx.msk [tilespmem:v3+s13+$0x0], $0xffff  }
0x1dc: {  	v3 =	vor.u32 v4, v13;
	v4 =	vor.u32 $0x180, v7;
	v13 =	vld.idx.msk [tilespmem:v5+s13+$0x0], $0xffff;
	v5 =	vor.u32 $0x200, v7  }
0x1dd: {  	v24 =	vor.u32 $0x80, v3;
	v25 =	vor.u32 $0x180, v3;
	v26 =	vor.u32 $0x200, v3;
	v23 =	vld.idx.msk [tilespmem:v0+s13+$0x0], $0xffff  }
0x1de: {  	v27 =	vor.u32 $0x100, v3;
	v28 =	vor.u32 $0x280, v3;
	v29 =	vor.u32 $0x300, v3;
	v2 =	vld.idx.msk [tilespmem:v2+s13+$0x0], $0xffff  }
0x1df: {  	v31 =	vor.u32 $0x380, v0;
	v32 =	vor.u32 $0x380, v3;
	v30 =	vshll.u32 v11, $0x3;
	v10 =	vld.idx.msk [tilespmem:v10+s13+$0x0], $0xffff  }
0x1e0: {  	v0 =	vand.u32 $0x7F, v11;
	v11 =	vand.u32 $0xFFFFFC00, v30;
	v17 =	vadd.f32 v14, v17;
	v9 =	vld.idx.msk [tilespmem:v9+s13+$0x0], $0xffff  }
0x1e1: {  	v30 =	vor.u32 $0x380, v7;
	v11 =	vor.u32 v0, v11;
	v14 =	vor.u32 $0x380, v1;
	v12 =	vld.idx.msk [tilespmem:v12+s13+$0x0], $0xffff  }
0x1e2: {  	v34 =	vor.u32 $0x100, v11;
	v35 =	vor.u32 $0x200, v11;
	v33 =	vld.idx.msk [tilespmem:v3+s13+$0x0], $0xffff;
	v3 =	vor.u32 $0x80, v11  }
0x1e3: {  	v1 =	vor.u32 $0x300, v1;
	v36 =	vor.u32 $0x180, v11;
	v38 =	vor.u32 $0x380, v11;
	v37 =	vld.idx.msk [tilespmem:v5+s13+$0x0], $0xffff  }
0x1e4: {  	v39 =	vor.u32 $0x300, v11;
	v0 =	vadd.f32 v2, v20;
	v20 =	vld.idx.msk [tilespmem:v6+s13+$0x0], $0xffff;
	v6 =	vor.u32 $0x280, v11  }
0x1e5: {  	v40 =	vor.u32 $0x300, v7;
	v4 =	vld.idx.msk [tilespmem:v4+s13+$0x0], $0xffff  }
0x1e6: {  	v2 =	vld.idx.msk [tilespmem:v11+s13+$0x0], $0xffff  }
0x1e7: {  	v32 =	vld.idx.msk [tilespmem:v32+s13+$0x0], $0xffff  }
0x1e8: {  	v30 =	vld.idx.msk [tilespmem:v30+s13+$0x0], $0xffff  }
0x1e9: {  	v41 =	vld.idx.msk [tilespmem:v1+s13+$0x0], $0xffff  }
0x1ea: {  	v1 =	vadd.f32 v12, v20;
	v5 =	vld.idx.msk [tilespmem:v35+s13+$0x0], $0xffff  }
0x1eb: {  	v12 =	vld.idx.msk [tilespmem:v14+s13+$0x0], $0xffff  }
0x1ec: {  	v7 =	vadd.f32 v4, v9;
	v14 =	vld.idx.msk [tilespmem:v40+s13+$0x0], $0xffff  }
0x1ed: {  	v20 =	vld.idx.msk [tilespmem:v38+s13+$0x0], $0xffff  }
0x1ee: {  	v9 =	vld.idx.msk [tilespmem:v31+s13+$0x0], $0xffff  }
0x1ef: {  	v31 =	vadd.f32 v37, v10;
	v11 =	vld.idx.msk [tilespmem:v8+s13+$0x0], $0xffff  }
0x1f0: {  	v4 =	vld.idx.msk [tilespmem:v28+s13+$0x0], $0xffff  }
0x1f1: {  	v19 =	vld.idx.msk [tilespmem:v19+s13+$0x0], $0xffff  }
0x1f2: {  	v28 =	vld.idx.msk [tilespmem:v16+s13+$0x0], $0xffff  }
0x1f3: {  	v15 =	vld.idx.msk [tilespmem:v15+s13+$0x0], $0xffff  }
0x1f4: {  	v8 =	vld.idx.msk [tilespmem:v22+s13+$0x0], $0xffff  }
0x1f5: {  	v12 =	vadd.f32 v30, v12;
	v11 =	vadd.f32 v13, v11;
	v13 =	vld.idx.msk [tilespmem:v26+s13+$0x0], $0xffff  }
0x1f6: {  	v10 =	vld.idx.msk [tilespmem:v18+s13+$0x0], $0xffff  }
0x1f7: {  	v16 =	vadd.f32 v32, v9;
	v22 =	vld.idx.msk [tilespmem:v24+s13+$0x0], $0xffff  }
0x1f8: {  	v24 =	vld.idx.msk [tilespmem:v27+s13+$0x0], $0xffff  }
0x1f9: {  	v12 =	vadd.f32 v12, v16;
	v9 =	vld.idx.msk [tilespmem:v21+s13+$0x0], $0xffff  }
.Ltmp2:
0x1fa: {  	v21 =	vadd.f32 v33, v23;
	v18 =	vld.idx.msk [tilespmem:v25+s13+$0x0], $0xffff;
	(pc) =	sbr.rel @p0 .LBB2_6-.Ltmp2, $4  }
0x1fb: {  	v19 =	vadd.f32 v13, v19;
	v16 =	vld.idx.msk [tilespmem:v29+s13+$0x0], $0xffff  }
0x1fc: {  	v14 =	vadd.f32 v14, v41;
	v23 =	vadd.f32 v12, v20;
	v13 =	vld.idx.msk [tilespmem:v36+s13+$0x0], $0xffff  }
0x1fd: {  	v21 =	vadd.f32 v17, v21;
	v12 =	vadd.f32 v22, v15;
	v17 =	vld.idx.msk [tilespmem:v34+s13+$0x0], $0xffff  }
0x1fe: {  	v22 =	vadd.f32 v31, v19;
	v19 =	vmul.f32 $1.442695020e+00, v23;
	v20 =	vadd.f32 v24, v28;
	v15 =	vld.idx.msk [tilespmem:v39+s13+$0x0], $0xffff  }
0x1ff: {  	_ = 	snop  }
0x200: {  	v10 =	vadd.f32 v18, v10  }
0x201: {  	v5 =	vadd.f32 v22, v5;
	v11 =	vadd.f32 v11, v20  }
0x202: {  	v7 =	vadd.f32 v7, v10  }
0x203: {  	v2 =	vadd.f32 v21, v2;
	v3 =	vld.idx.msk [tilespmem:v3+s13+$0x0], $0xffff;
	v5 =	vmul.f32 $1.442695020e+00, v5;
	v10 =	vadd.f32 v11, v17  }
0x204: {  	v6 =	vld.idx.msk [tilespmem:v6+s13+$0x0], $0xffff;
	v8 =	vadd.f32 v16, v8;
	(erf) = vpow2.f32 v19;
	v7 =	vadd.f32 v7, v13  }
0x205: {  	v4 =	vadd.f32 v4, v9;
	(erf) = vpow2.f32 v5;
	v5 =	vmul.f32 $1.442695020e+00, v10  }
0x206: {  	v0 =	vadd.f32 v0, v12;
	v8 =	vadd.f32 v14, v8;
	v7 =	vmul.f32 $1.442695020e+00, v7  }
0x207: {  	v1 =	vadd.f32 v1, v4;
	v2 =	vmul.f32 $1.442695020e+00, v2;
	(erf) = vpow2.f32 v5  }
0x208: {  	v4 =	vadd.f32 v8, v15;
	v0 =	vadd.f32 v0, v3;
	(erf) = vpow2.f32 v7  }
0x209: {  	v1 =	vadd.f32 v1, v6;
	(erf) = vpow2.f32 v2  }
0x20a: {  	v4 =	vmul.f32 $1.442695020e+00, v4;
	v0 =	vmul.f32 $1.442695020e+00, v0  }
0x20b: {  	v1 =	vmul.f32 $1.442695020e+00, v1  }
0x20c: {  	(erf) = vpow2.f32 v4  }
0x20d: {  	(erf) = vpow2.f32 v1  }
0x20e: {  	(erf) = vpow2.f32 v0;
	v0 =	vpop (erf)  }
0x20f: {  	v0 =	vadd.f32 $1.000000000e+00, v0;
	v1 =	vpop (erf)  }
0x210: {  	v1 =	vadd.f32 $1.000000000e+00, v1;
	v2 =	vpop (erf)  }
0x211: {  	(erf) = vrcp.f32 v0;
	v0 =	vadd.f32 $1.000000000e+00, v2;
	v2 =	vpop (erf)  }
0x212: {  	(erf) = vrcp.f32 v1;
	v1 =	vadd.f32 $1.000000000e+00, v2;
	v2 =	vpop (erf)  }
0x213: {  	v2 =	vadd.f32 $1.000000000e+00, v2;
	_ =	sdelay $0x1  }
0x214: {  	(erf) = vrcp.f32 v0;
	v0 =	vpop (erf)  }
0x215: {  	(erf) = vrcp.f32 v1;
	v0 =	vadd.f32 $1.000000000e+00, v0;
	v1 =	vpop (erf)  }
0x216: {  	(erf) = vrcp.f32 v2;
	v1 =	vadd.f32 $1.000000000e+00, v1;
	v2 =	vpop (erf)  }
0x217: {  	(erf) = vrcp.f32 v0;
	v0 =	vadd.f32 $1.000000000e+00, v2  }
0x218: {  	(erf) = vrcp.f32 v1  }
0x219: {  	(erf) = vrcp.f32 v0;
	_ =	sdelay $0x1  }
0x21a: {  	v0 =	vpop (erf)  }
0x21b: {  	v1 =	vpop (erf)  }
0x21c: {  	[tilespmem:s23+$0xC200] =	vst v1;
	v1 =	vpop (erf)  }
0x21d: {  	[tilespmem:s23+$0xC100] =	vst v1;
	v1 =	vpop (erf)  }
0x21e: {  	[tilespmem:s23+$0xC180] =	vst v1;
	v1 =	vpop (erf)  }
0x21f: {  	[tilespmem:s23+$0xC000] =	vst v1;
	v1 =	vpop (erf)  }
0x220: {  	[tilespmem:s23+$0xC300] =	vst v1;
	v1 =	vpop (erf)  }
0x221: {  	[tilespmem:s23+$0xC280] =	vst v1;
	v1 =	vpop (erf)  }
0x222: {  	s26 =	sor.u32 $0x380, s25;
	[tilespmem:s23+$0xC080] =	vst v1  }
0x223: {  	s24 =	simm.s32 $0x0;
	[tilespmem:s26+$0xC000] =	vst v0  }
0x224: {  	[hbm4b:s10+s24] =	stream.linear.scatter [tilespmem:s17], [sflag:$0x4], $0x8000, $0x38;
	[tilespmem:$0x1C000] =	vst v63  }
0x225: {  	_ =	swait.ge [sflag:s18], $0x2000  }
0x226: {  	[sflag:s18] =	ssyncset.done $0x0  }
0x227: {  	[sflag:s18] =	ssyncadd.s32 $0xFFFFE000  }
0x228: {  	_ =	swait.ge [sflag:s21], $0x8000  }
0x229: {  	s29 =	sand.u32 $0x70, s24;
	s30 =	sand.u32 $0x7C00, s24;
	[sflag:s21] =	ssyncset.done $0x0  }
0x22a: {  	s23 =	sor.u32 s29, s30;
	[sflag:s21] =	ssyncadd.s32 $0xFFFF8000  }
0x22b: {  	v0 =	vld [tilespmem:s23+$0x180]  }
0x22c: {  	v1 =	vld [tilespmem:s23+$0x100]  }
0x22d: {  	v4 =	vld [tilespmem:s23+$0x0];
	_ =	sdelay $0x1  }
0x22e: {  	v8 =	vld [tilespmem:s23+$0x200];
	_ =	sdelay $0x1  }
0x22f: {  	v2 =	vld [tilespmem:s23+$0x80];
	v3 =	vshll.u32 v0, $0x3;
	v0 =	vand.u32 $0x7F, v0;
	v5 =	vshll.u32 v1, $0x3  }
0x230: {  	v1 =	vand.u32 $0x7F, v1;
	v7 =	vshll.u32 v4, $0x3;
	v3 =	vand.u32 $0xFFFFFC00, v3  }
0x231: {  	v4 =	vand.u32 $0x7F, v4;
	v5 =	vand.u32 $0xFFFFFC00, v5;
	v3 =	vor.u32 v0, v3  }
0x232: {  	v47 =	vshll.u32 v8, $0x3;
	v7 =	vand.u32 $0xFFFFFC00, v7;
	v5 =	vor.u32 v1, v5  }
0x233: {  	v8 =	vand.u32 $0x7F, v8;
	v19 =	vand.u32 $0xFFFFFC00, v47;
	v4 =	vor.u32 v4, v7  }
0x234: {  	v1 =	vshll.u32 v2, $0x3;
	v8 =	vor.u32 v8, v19  }
0x235: {  	v2 =	vand.u32 $0x7F, v2;
	v0 =	vor.u32 $0x80, v5;
	v1 =	vand.u32 $0xFFFFFC00, v1  }
0x236: {  	v6 =	vor.u32 $0x80, v3;
	v2 =	vor.u32 v2, v1;
	v1 =	vld.idx.msk [tilespmem:v3+s16+$0x0], $0xffff  }
0x237: {  	v9 =	vor.u32 $0x180, v3;
	v7 =	vld.idx.msk [tilespmem:v5+s16+$0x0], $0xffff  }
0x238: {  	v10 =	vor.u32 $0x200, v5;
	v15 =	vld.idx.msk [tilespmem:v4+s16+$0x0], $0xffff  }
0x239: {  	v44 =	vor.u32 $0x300, v3;
	v33 =	vld.idx.msk [tilespmem:v8+s16+$0x0], $0xffff  }
0x23a: {  	v45 =	vor.u32 $0x300, v5;
	v11 =	vld.idx.msk [tilespmem:v0+s16+$0x0], $0xffff  }
0x23b: {  	v46 =	vor.u32 $0x300, v4;
	v6 =	vld.idx.msk [tilespmem:v6+s16+$0x0], $0xffff  }
0x23c: {  	v49 =	vor.u32 $0x280, v4;
	v9 =	vld.idx.msk [tilespmem:v9+s16+$0x0], $0xffff  }
0x23d: {  	v19 =	vor.u32 $0x100, v8;
	v10 =	vld.idx.msk [tilespmem:v10+s16+$0x0], $0xffff  }
0x23e: {  	v50 =	vor.u32 $0x280, v8;
	v16 =	vld.idx.msk [tilespmem:v44+s16+$0x0], $0xffff  }
0x23f: {  	v24 =	vor.u32 $0x100, v5;
	v17 =	vld.idx.msk [tilespmem:v45+s16+$0x0], $0xffff  }
0x240: {  	v27 =	vor.u32 $0x280, v5;
	v18 =	vld.idx.msk [tilespmem:v46+s16+$0x0], $0xffff  }
0x241: {  	v29 =	vor.u32 $0x200, v3;
	v21 =	vld.idx.msk [tilespmem:v49+s16+$0x0], $0xffff  }
0x242: {  	v0 =	vor.u32 $0x100, v3;
	v19 =	vld.idx.msk [tilespmem:v19+s16+$0x0], $0xffff  }
0x243: {  	v34 =	vor.u32 $0x180, v4;
	v22 =	vld.idx.msk [tilespmem:v50+s16+$0x0], $0xffff  }
0x244: {  	v35 =	vor.u32 $0x200, v4;
	v24 =	vld.idx.msk [tilespmem:v24+s16+$0x0], $0xffff  }
0x245: {  	v27 =	vld.idx.msk [tilespmem:v27+s16+$0x0], $0xffff  }
0x246: {  	v12 =	vor.u32 $0x280, v2;
	v29 =	vld.idx.msk [tilespmem:v29+s16+$0x0], $0xffff  }
0x247: {  	v48 =	vld.idx.msk [tilespmem:v0+s16+$0x0], $0xffff;
	v0 =	vor.u32 $0x280, v3  }
0x248: {  	v14 =	vor.u32 $0x300, v2;
	v56 =	vld.idx.msk [tilespmem:v34+s16+$0x0], $0xffff  }
0x249: {  	v26 =	vor.u32 $0x100, v2;
	v57 =	vld.idx.msk [tilespmem:v35+s16+$0x0], $0xffff  }
0x24a: {  	v28 =	vor.u32 $0x80, v2;
	v13 =	vld.idx.msk [tilespmem:v2+s16+$0x0], $0xffff  }
0x24b: {  	v31 =	vor.u32 $0x180, v2;
	v12 =	vld.idx.msk [tilespmem:v12+s16+$0x0], $0xffff  }
0x24c: {  	v30 =	vor.u32 $0x100, v4;
	v25 =	vld.idx.msk [tilespmem:v0+s16+$0x0], $0xffff  }
0x24d: {  	v32 =	vor.u32 $0x200, v2;
	v14 =	vld.idx.msk [tilespmem:v14+s16+$0x0], $0xffff  }
0x24e: {  	v23 =	vor.u32 $0x180, v8;
	v26 =	vld.idx.msk [tilespmem:v26+s16+$0x0], $0xffff  }
0x24f: {  	v51 =	vor.u32 $0x180, v5;
	v28 =	vld.idx.msk [tilespmem:v28+s16+$0x0], $0xffff;
	v1 =	vadd.f32 v1, v7;
	v7 =	vadd.f32 v13, v15  }
0x250: {  	v52 =	vld.idx.msk [tilespmem:v31+s16+$0x0], $0xffff;
	v3 =	vor.u32 $0x380, v3;
	v12 =	vadd.f32 v12, v21  }
0x251: {  	v13 =	vld.idx.msk [tilespmem:v30+s16+$0x0], $0xffff;
	v15 =	vor.u32 $0x300, v8;
	v7 =	vadd.f32 v1, v7;
	v55 =	vadd.f32 v25, v27  }
0x252: {  	v36 =	vor.u32 $0x80, v4;
	v58 =	vor.u32 $0x380, v2;
	v53 =	vld.idx.msk [tilespmem:v32+s16+$0x0], $0xffff;
	v1 =	vadd.f32 v6, v11  }
0x253: {  	v5 =	vor.u32 $0x380, v5;
	v0 =	vld.idx.msk [tilespmem:v23+s16+$0x0], $0xffff;
	v11 =	vadd.f32 v7, v33;
	v2 =	vadd.f32 v55, v12  }
0x254: {  	v54 =	vor.u32 $0x200, v8;
	v59 =	vor.u32 $0x80, v8;
	v16 =	vadd.f32 v16, v17;
	v23 =	vld.idx.msk [tilespmem:v51+s16+$0x0], $0xffff  }
0x255: {  	v3 =	vld.idx.msk [tilespmem:v3+s16+$0x0], $0xffff;
	v61 =	vadd.f32 v2, v22;
	v2 =	vor.u32 $0x380, v8;
	v8 =	vmul.f32 $1.442695020e+00, v11  }
0x256: {  	v60 =	vor.u32 $0x380, v4;
	v6 =	vadd.f32 v48, v24;
	v15 =	vld.idx.msk [tilespmem:v15+s16+$0x0], $0xffff;
	v4 =	vadd.f32 v26, v13  }
0x257: {  	v10 =	vadd.f32 v29, v10;
	v12 =	vld.idx.msk [tilespmem:v36+s16+$0x0], $0xffff;
	v62 =	vmul.f32 $1.442695020e+00, v61;
	(erf) = vpow2.f32 v8  }
0x258: {  	v14 =	vadd.f32 v14, v18;
	v13 =	vadd.f32 v6, v4;
	v4 =	vld.idx.msk [tilespmem:v5+s16+$0x0], $0xffff  }
0x259: {  	v63 =	vadd.f32 v53, v57;
	v7 =	vadd.f32 v9, v23;
	v9 =	vld.idx.msk [tilespmem:v54+s16+$0x0], $0xffff;
	(erf) = vpow2.f32 v62  }
0x25a: {  	s31 =	sand.u32 $0x7, s24;
	v14 =	vadd.f32 v16, v14;
	v6 =	vld.idx.msk [tilespmem:v58+s16+$0x0], $0xffff;
	v5 =	vadd.f32 v13, v19  }
0x25b: {  	s25 =	sshll.u32 s31, $0x4;
	v13 =	vadd.f32 v10, v63;
	v10 =	vld.idx.msk [tilespmem:v60+s16+$0x0], $0xffff;
	v11 =	vadd.f32 v52, v56  }
0x25c: {  	s28 =	simm.s32 $0x0;
	s25 =	sadd.s32 $0x0, s25;
	s26 =	simm.s32 $0x10;
	v14 =	vadd.f32 v14, v15;
	v8 =	vld.idx.msk [tilespmem:v59+s16+$0x0], $0xffff;
	v12 =	vadd.f32 v28, v12  }
.LBB2_8:
0x25d: {  	p0 =	sne.s32 s26, $0xFF0;
	v7 =	vadd.f32 v7, v11;
	s24 =	sadd.s32 $0x80, s24;
	s28 =	sadd.s32 $0x1, s28  }
0x25e: {  	s30 =	smov.u32 s26;
	s26 =	sadd.s32 $0x10, s26;
	s29 =	sand.u32 $0x7, s28;
	v13 =	vadd.f32 v13, v9;
	v11 =	vmul.f32 $1.442695020e+00, v14  }
0x25f: {  	v1 =	vadd.f32 v1, v12;
	s29 =	sshll.u32 s29, $0x4;
	v0 =	vadd.f32 v7, v0  }
0x260: {  	s29 =	sadd.s32 s29, s24;
	v7 =	vmul.f32 $1.442695020e+00, v13;
	v2 =	vld.idx.msk [tilespmem:v2+s16+$0x0], $0xffff;
	v9 =	vpop (erf);
	(erf) = vpow2.f32 v11  }
0x261: {  	v1 =	vadd.f32 v1, v8;
	v9 =	vadd.f32 $1.000000000e+00, v9;
	v0 =	vmul.f32 $1.442695020e+00, v0  }
0x262: {  	v3 =	vadd.f32 v3, v4;
	v6 =	vadd.f32 v6, v10;
	(erf) = vpow2.f32 v7;
	v4 =	vpop (erf)  }
0x263: {  	v1 =	vmul.f32 $1.442695020e+00, v1;
	v4 =	vadd.f32 $1.000000000e+00, v4;
	(erf) = vrcp.f32 v9  }
0x264: {  	v5 =	vmul.f32 $1.442695020e+00, v5;
	v3 =	vadd.f32 v3, v6;
	(erf) = vpow2.f32 v0  }
0x265: {  	(erf) = vpow2.f32 v1  }
0x266: {  	v0 =	vadd.f32 v3, v2;
	(erf) = vpow2.f32 v5;
	_ =	sdelay $0x1  }
0x267: {  	v2 =	vmul.f32 $1.442695020e+00, v0  }
0x268: {  	v1 =	vpop (erf)  }
0x269: {  	v1 =	vadd.f32 $1.000000000e+00, v1;
	(erf) = vpow2.f32 v2  }
0x26a: {  	v0 =	vpop (erf)  }
0x26b: {  	v5 =	vadd.f32 $1.000000000e+00, v0;
	v2 =	vpop (erf)  }
0x26c: {  	[tilespmem:s23+$0x14000] =	vst v2;
	v2 =	vpop (erf)  }
0x26d: {  	v2 =	vadd.f32 $1.000000000e+00, v2;
	v3 =	vpop (erf);
	(erf) = vrcp.f32 v5  }
0x26e: {  	v0 =	vpop (erf)  }
0x26f: {  	v3 =	vadd.f32 $1.000000000e+00, v3;
	v5 =	vadd.f32 $1.000000000e+00, v0;
	(erf) = vrcp.f32 v2  }
0x270: {  	(erf) = vrcp.f32 v4  }
0x271: {  	(erf) = vrcp.f32 v5  }
0x272: {  	(erf) = vrcp.f32 v3;
	v0 =	vpop (erf)  }
0x273: {  	v2 =	vadd.f32 $1.000000000e+00, v0;
	(erf) = vrcp.f32 v1;
	_ =	sdelay $0x1  }
0x274: {  	(erf) = vrcp.f32 v2  }
0x275: {  	v0 =	vpop (erf)  }
0x276: {  	[tilespmem:s23+$0x14200] =	vst v0  }
0x277: {  	v0 =	vpop (erf)  }
0x278: {  	[tilespmem:s23+$0x14180] =	vst v0;
	v0 =	vpop (erf)  }
0x279: {  	v1 =	vpop (erf)  }
0x27a: {  	[tilespmem:s23+$0x14100] =	vst v1;
	v1 =	vpop (erf)  }
0x27b: {  	[tilespmem:s23+$0x14080] =	vst v1;
	s23 =	sadd.s32 $0x14000, s23;
	v1 =	vpop (erf)  }
0x27c: {  	[tilespmem:s23+$0x280] =	vst v0  }
0x27d: {  	s25 =	sor.u32 $0x380, s25;
	s30 =	sand.u32 $0x70, s30;
	s31 =	sand.u32 $0x7C00, s24;
	[tilespmem:s23+$0x300] =	vst v1;
	v0 =	vpop (erf)  }
0x27e: {  	s23 =	sor.u32 s30, s31;
	[tilespmem:s25+$0x14000] =	vst v0;
	s25 =	smov.u32 s29  }
0x27f: {  	v0 =	vld [tilespmem:s23+$0x180]  }
0x280: {  	v1 =	vld [tilespmem:s23+$0x100]  }
0x281: {  	v2 =	vld [tilespmem:s23+$0x80]  }
0x282: {  	v3 =	vld [tilespmem:s23+$0x0];
	_ =	sdelay $0x1  }
0x283: {  	v4 =	vand.u32 $0x7F, v0;
	v0 =	vshll.u32 v0, $0x3  }
0x284: {  	v5 =	vand.u32 $0x7F, v1;
	v1 =	vshll.u32 v1, $0x3;
	v0 =	vand.u32 $0xFFFFFC00, v0  }
0x285: {  	v6 =	vshll.u32 v2, $0x3;
	v1 =	vand.u32 $0xFFFFFC00, v1;
	v0 =	vor.u32 v4, v0  }
0x286: {  	v2 =	vand.u32 $0x7F, v2;
	v4 =	vor.u32 v5, v1;
	v1 =	vor.u32 $0x80, v0  }
0x287: {  	v5 =	vand.u32 $0x7F, v3;
	v7 =	vor.u32 $0x80, v4;
	v8 =	vor.u32 $0x100, v4  }
0x288: {  	v3 =	vshll.u32 v3, $0x3;
	v9 =	vor.u32 $0x180, v4;
	v10 =	vor.u32 $0x200, v4  }
0x289: {  	v6 =	vand.u32 $0xFFFFFC00, v6;
	v12 =	vor.u32 $0x100, v0;
	v13 =	vor.u32 $0x180, v0;
	v11 =	vld [tilespmem:s23+$0x200]  }
0x28a: {  	v3 =	vand.u32 $0xFFFFFC00, v3;
	v2 =	vor.u32 v2, v6;
	v14 =	vor.u32 $0x280, v4;
	v6 =	vld.idx.msk [tilespmem:v0+s16+$0x0], $0xffff  }
0x28b: {  	v3 =	vor.u32 v5, v3;
	v15 =	vor.u32 $0x100, v2;
	v16 =	vor.u32 $0x180, v2;
	v5 =	vld.idx.msk [tilespmem:v4+s16+$0x0], $0xffff  }
0x28c: {  	v17 =	vor.u32 $0x80, v3;
	v18 =	vor.u32 $0x100, v3;
	v19 =	vor.u32 $0x180, v3;
	v7 =	vld.idx.msk [tilespmem:v7+s16+$0x0], $0xffff  }
0x28d: {  	v20 =	vor.u32 $0x80, v2;
	v22 =	vor.u32 $0x200, v2;
	v21 =	vor.u32 $0x200, v3;
	v1 =	vld.idx.msk [tilespmem:v1+s16+$0x0], $0xffff  }
0x28e: {  	v23 =	vor.u32 $0x200, v0;
	v25 =	vor.u32 $0x280, v2;
	v24 =	vor.u32 $0x280, v3;
	v13 =	vld.idx.msk [tilespmem:v13+s16+$0x0], $0xffff  }
0x28f: {  	v27 =	vor.u32 $0x280, v0;
	v29 =	vor.u32 $0x300, v2;
	v28 =	vor.u32 $0x300, v3;
	v26 =	vld.idx.msk [tilespmem:v2+s16+$0x0], $0xffff  }
0x290: {  	v33 =	vor.u32 $0x300, v0;
	v32 =	vor.u32 $0x300, v4;
	v31 =	vshll.u32 v11, $0x3;
	v30 =	vld.idx.msk [tilespmem:v3+s16+$0x0], $0xffff  }
0x291: {  	v11 =	vand.u32 $0x7F, v11;
	v31 =	vand.u32 $0xFFFFFC00, v31;
	v5 =	vadd.f32 v6, v5;
	v6 =	vld.idx.msk [tilespmem:v10+s16+$0x0], $0xffff  }
0x292: {  	v10 =	vor.u32 v11, v31;
	v31 =	vor.u32 $0x380, v3;
	v11 =	vld.idx.msk [tilespmem:v12+s16+$0x0], $0xffff;
	v12 =	vor.u32 $0x380, v2  }
0x293: {  	v1 =	vadd.f32 v1, v7;
	v34 =	vor.u32 $0x200, v10;
	v7 =	vor.u32 $0x280, v10;
	v3 =	vld.idx.msk [tilespmem:v25+s16+$0x0], $0xffff  }
0x294: {  	v35 =	vor.u32 $0x100, v10;
	v36 =	vor.u32 $0x180, v10;
	v25 =	vor.u32 $0x80, v10;
	v29 =	vld.idx.msk [tilespmem:v29+s16+$0x0], $0xffff  }
0x295: {  	v37 =	vor.u32 $0x380, v0;
	v4 =	vor.u32 $0x380, v4;
	v2 =	vor.u32 $0x380, v10;
	v33 =	vld.idx.msk [tilespmem:v33+s16+$0x0], $0xffff  }
0x296: {  	v32 =	vld.idx.msk [tilespmem:v32+s16+$0x0], $0xffff  }
0x297: {  	v28 =	vld.idx.msk [tilespmem:v28+s16+$0x0], $0xffff  }
0x298: {  	v27 =	vld.idx.msk [tilespmem:v27+s16+$0x0], $0xffff  }
0x299: {  	v24 =	vld.idx.msk [tilespmem:v24+s16+$0x0], $0xffff  }
0x29a: {  	v35 =	vld.idx.msk [tilespmem:v35+s16+$0x0], $0xffff  }
0x29b: {  	v7 =	vld.idx.msk [tilespmem:v7+s16+$0x0], $0xffff  }
0x29c: {  	v0 =	vld.idx.msk [tilespmem:v36+s16+$0x0], $0xffff  }
0x29d: {  	v8 =	vld.idx.msk [tilespmem:v8+s16+$0x0], $0xffff  }
0x29e: {  	v15 =	vld.idx.msk [tilespmem:v15+s16+$0x0], $0xffff  }
0x29f: {  	v14 =	vld.idx.msk [tilespmem:v14+s16+$0x0], $0xffff  }
0x2a0: {  	v20 =	vld.idx.msk [tilespmem:v20+s16+$0x0], $0xffff  }
0x2a1: {  	v36 =	vld.idx.msk [tilespmem:v10+s16+$0x0], $0xffff;
	v10 =	vor.u32 $0x300, v10  }
0x2a2: {  	v26 =	vadd.f32 v26, v30;
	v9 =	vld.idx.msk [tilespmem:v9+s16+$0x0], $0xffff  }
0x2a3: {  	v8 =	vadd.f32 v11, v8;
	v11 =	vld.idx.msk [tilespmem:v23+s16+$0x0], $0xffff  }
0x2a4: {  	v5 =	vadd.f32 v5, v26;
	v18 =	vld.idx.msk [tilespmem:v18+s16+$0x0], $0xffff  }
0x2a5: {  	v3 =	vadd.f32 v3, v24;
	v14 =	vadd.f32 v27, v14;
	v16 =	vld.idx.msk [tilespmem:v16+s16+$0x0], $0xffff  }
0x2a6: {  	v22 =	vld.idx.msk [tilespmem:v22+s16+$0x0], $0xffff  }
0x2a7: {  	v5 =	vadd.f32 v5, v36;
	v3 =	vadd.f32 v14, v3;
	v19 =	vld.idx.msk [tilespmem:v19+s16+$0x0], $0xffff  }
0x2a8: {  	v23 =	vadd.f32 v33, v32;
	v14 =	vld.idx.msk [tilespmem:v21+s16+$0x0], $0xffff;
	v21 =	vadd.f32 v29, v28  }
0x2a9: {  	v5 =	vmul.f32 $1.442695020e+00, v5;
	v3 =	vadd.f32 v3, v7;
	v17 =	vld.idx.msk [tilespmem:v17+s16+$0x0], $0xffff  }
0x2aa: {  	v7 =	vadd.f32 v13, v9;
	v10 =	vld.idx.msk [tilespmem:v10+s16+$0x0], $0xffff;
	v21 =	vadd.f32 v23, v21  }
0x2ab: {  	v13 =	vadd.f32 v15, v18;
	v15 =	vmul.f32 $1.442695020e+00, v3;
	v3 =	vld.idx.msk [tilespmem:v37+s16+$0x0], $0xffff;
	(erf) = vpow2.f32 v5  }
.Ltmp3:
0x2ac: {  	v18 =	vadd.f32 v11, v6;
	v9 =	vld.idx.msk [tilespmem:v34+s16+$0x0], $0xffff;
	(pc) =	sbr.rel @p0 .LBB2_8-.Ltmp3, $4  }
0x2ad: {  	v5 =	vadd.f32 v8, v13;
	v11 =	vadd.f32 v16, v19;
	v4 =	vld.idx.msk [tilespmem:v4+s16+$0x0], $0xffff;
	(erf) = vpow2.f32 v15  }
0x2ae: {  	v13 =	vadd.f32 v22, v14;
	v6 =	vld.idx.msk [tilespmem:v12+s16+$0x0], $0xffff  }
0x2af: {  	v5 =	vadd.f32 v5, v35;
	v12 =	vadd.f32 v20, v17;
	v8 =	vld.idx.msk [tilespmem:v25+s16+$0x0], $0xffff  }
0x2b0: {  	v13 =	vadd.f32 v18, v13;
	v14 =	vadd.f32 v21, v10;
	v10 =	vld.idx.msk [tilespmem:v31+s16+$0x0], $0xffff  }
0x2b1: {  	_ = 	snop  }
0x2b2: {  	v7 =	vadd.f32 v7, v11;
	v9 =	vadd.f32 v13, v9  }
0x2b3: {  	v1 =	vadd.f32 v1, v12;
	v42 =	vmul.f32 $1.442695020e+00, v14  }
0x2b4: {  	v3 =	vadd.f32 v3, v4;
	v0 =	vadd.f32 v7, v0;
	v43 =	vmul.f32 $1.442695020e+00, v9;
	v44 =	vpop (erf)  }
0x2b5: {  	v2 =	vld.idx.msk [tilespmem:v2+s16+$0x0], $0xffff;
	(erf) = vpow2.f32 v42;
	v1 =	vadd.f32 v1, v8;
	v9 =	vadd.f32 $1.000000000e+00, v44  }
0x2b6: {  	v0 =	vmul.f32 $1.442695020e+00, v0;
	v6 =	vadd.f32 v6, v10;
	(erf) = vpow2.f32 v43  }
0x2b7: {  	v1 =	vmul.f32 $1.442695020e+00, v1;
	(erf) = vrcp.f32 v9  }
0x2b8: {  	v45 =	vmul.f32 $1.442695020e+00, v5;
	v3 =	vadd.f32 v3, v6;
	(erf) = vpow2.f32 v0  }
0x2b9: {  	(erf) = vpow2.f32 v1  }
0x2ba: {  	v46 =	vadd.f32 v3, v2;
	(erf) = vpow2.f32 v45;
	_ =	sdelay $0x1  }
0x2bb: {  	v0 =	vmul.f32 $1.442695020e+00, v46  }
0x2bc: {  	v47 =	vpop (erf)  }
0x2bd: {  	v48 =	vpop (erf);
	(erf) = vpow2.f32 v0  }
0x2be: {  	v49 =	vpop (erf)  }
0x2bf: {  	v50 =	vpop (erf)  }
0x2c0: {  	v0 =	vadd.f32 $1.000000000e+00, v49;
	v51 =	vpop (erf)  }
0x2c1: {  	v4 =	vadd.f32 $1.000000000e+00, v51;
	v52 =	vpop (erf)  }
0x2c2: {  	v1 =	vadd.f32 $1.000000000e+00, v47;
	(erf) = vrcp.f32 v0;
	v53 =	vpop (erf)  }
0x2c3: {  	v0 =	vadd.f32 $1.000000000e+00, v53;
	(erf) = vrcp.f32 v4  }
0x2c4: {  	v54 =	vadd.f32 $1.000000000e+00, v52;
	(erf) = vrcp.f32 v1  }
0x2c5: {  	(erf) = vrcp.f32 v0  }
0x2c6: {  	v55 =	vadd.f32 $1.000000000e+00, v48;
	v56 =	vpop (erf);
	(erf) = vrcp.f32 v54  }
0x2c7: {  	v1 =	vadd.f32 $1.000000000e+00, v56  }
0x2c8: {  	(erf) = vrcp.f32 v55  }
0x2c9: {  	(erf) = vrcp.f32 v1;
	_ =	sdelay $0x1  }
0x2ca: {  	v57 =	vpop (erf)  }
0x2cb: {  	[tilespmem:s23+$0x14000] =	vst v50;
	v58 =	vpop (erf)  }
0x2cc: {  	[tilespmem:s23+$0x14200] =	vst v57;
	v59 =	vpop (erf)  }
0x2cd: {  	[tilespmem:s23+$0x14180] =	vst v58;
	v60 =	vpop (erf)  }
0x2ce: {  	[tilespmem:s23+$0x14100] =	vst v60;
	v61 =	vpop (erf)  }
0x2cf: {  	s30 =	sadd.s32 $0x14000, s23;
	[tilespmem:s23+$0x14080] =	vst v61  }
0x2d0: {  	v62 =	vpop (erf);
	[tilespmem:s30+$0x280] =	vst v59  }
0x2d1: {  	s31 =	sor.u32 $0x380, s25;
	[tilespmem:s30+$0x300] =	vst v62;
	v63 =	vpop (erf)  }
0x2d2: {  	s22 =	sadd.s32 $0x1, s22;
	[tilespmem:s31+$0x14000] =	vst v63  }
0x2d3: {  	[hbm4b:s11+s3] =	stream.linear.scatter [tilespmem:s19], [sflag:$0x5], $0x8000, $0x38;
	[tilespmem:$0x1C000] =	vst v63  }
0x2d4: {  	p0 =	sne.s32 s22, s12;
	_ =	swait.ge [sflag:s20], $0x8000  }
.Ltmp4:
0x2d5: {  	[sflag:s20] =	ssyncset.done $0x0;
	(pc) =	sbr.rel @p0 .LBB2_1-.Ltmp4, $4  }
0x2d6: {  	[sflag:s20] =	ssyncadd.s32 $0xFFFF8000  }
0x2d7: {  	_ =	swait.ge [sflag:s21], $0x8000  }
0x2d8: {  	[sflag:s21] =	ssyncset.done $0x0  }
0x2d9: {  	[sflag:s21] =	ssyncadd.s32 $0xFFFF8000  }
0x2da: {  	_ =	sfence.sel $0x180000  }
0x2db: {  	[bflag:$0x0] =	sbarrier.arrive $0xFFFF  }
0x2dc: {  	p0 =	sne.s32 s2, $0x0;
	_ =	strace $0x90000047  }
0x2dd: {  	s0 =	sadd.s32 @!p0 $0x100000, s0;
	[bflag:$0x2] =	sbarrier.arrive $0xFFFF  }
0x2de: {  	[sflag:s0] =	ssyncadd.tile.s32 @!p0 $0x1;
	_ =	shalt  }
.Lfunc_end2:
_tile_overlayer_lowered:
.L_overlay_start_2:
0x2df: {  	(tag) =	ssettag $0x2  }
0x2e0: {  	s0 =	rddreg [dreg:$0x0];
	s2 =	stileid.u32  }
0x2e1: {  	s1 =	rddreg [dreg:$0x1];
	p0 =	sne.s32 s2, $0x0  }
0x2e2: {  	s3 =	rddreg [dreg:$0x2];
	[bflag:$0x3] =	sbarrier.arrive $0xFFFF;
	s2 =	simm.s32 @!p0 $0x1C06  }
0x2e3: {  	[timem:s3], [sflag:s2] =	dma.local @!p0 [hbm:s0], s1  }
0x2e4: {  	s0 =	simm.s32 @!p0 $0x6  }
0x2e5: {  	_ =	swait.ge @!p0 [sflag:s0], s1  }
0x2e6: {  	s1 =	ssub.s32 @!p0 $0x0, s1;
	[sflag:s0] =	ssyncset.done @!p0 $0x0  }
0x2e7: {  	[sflag:s0] =	ssyncadd.s32 @!p0 s1  }
0x2e8: {  	[bflag:$0x3] =	sbarrier.arrive $0xFFFF  }
0x2e9: {  	_ =	shalt  }

</sc_bundles>
